<compile_context>
chip_gen: v7x
topology: tpu7x:2x2x1
jax: 0.10.2.dev20260603
libtpu: 0.0.44.dev20260713+nightly
codegen_flags: <defaults>
</compile_context>

<pallas_src>
import functools
import math

import jax
import jax.numpy as jnp
from jax import lax
from jax.experimental import pallas as pl
from jax.experimental.pallas import tpu as pltpu
from jax.experimental.pallas import tpu_sc as plsc


def _split3(a):
    hi = a.astype(jnp.bfloat16)
    lo = (a - hi.astype(jnp.float32)).astype(jnp.bfloat16)
    return hi, lo


def _dot3(x, w_hi, w_lo):
    x_hi, x_lo = _split3(x)
    return (jnp.dot(x_hi, w_hi, preferred_element_type=jnp.float32)
            + jnp.dot(x_hi, w_lo, preferred_element_type=jnp.float32)
            + jnp.dot(x_lo, w_hi, preferred_element_type=jnp.float32))


def _stage_a(x, g_w1T, g_b1, g_w2T, g_b2, cc_mat, tn=2048):
    B, N, C = x.shape
    CR = g_w1T.shape[1]
    NW = 256
    wcc = jnp.concatenate(
        [g_w1T, cc_mat, jnp.zeros((C, NW - CR - 9), jnp.float32)], axis=1)
    wcc_hi, wcc_lo = _split3(wcc)
    w2_hi, w2_lo = _split3(g_w2T)

    def body(x_ref, whi_ref, wlo_ref, b1_ref, w2h_ref, w2l_ref, b2_ref,
             g_ref, m_ref):
        xs = x_ref[0]
        o = _dot3(xs, whi_ref[...], wlo_ref[...])
        h = jnp.maximum(o[:, :CR] + b1_ref[...], 0.0)
        m_ref[0] = o[:, CR:CR + 9]
        z = _dot3(h, w2h_ref[...], w2l_ref[...]) + b2_ref[...]
        g_ref[0] = 1.0 / (1.0 + jnp.exp(-z))

    return pl.pallas_call(
        body,
        grid=(B, N // tn),
        in_specs=[
            pl.BlockSpec((1, tn, C), lambda b, i: (b, i, 0)),
            pl.BlockSpec((C, NW), lambda b, i: (0, 0)),
            pl.BlockSpec((C, NW), lambda b, i: (0, 0)),
            pl.BlockSpec((1, CR), lambda b, i: (0, 0)),
            pl.BlockSpec((CR, 1), lambda b, i: (0, 0)),
            pl.BlockSpec((CR, 1), lambda b, i: (0, 0)),
            pl.BlockSpec((1, 1), lambda b, i: (0, 0)),
        ],
        out_specs=[
            pl.BlockSpec((1, tn, 1), lambda b, i: (b, i, 0)),
            pl.BlockSpec((1, tn, 9), lambda b, i: (b, i, 0)),
        ],
        out_shape=[
            jax.ShapeDtypeStruct((B, N, 1), jnp.float32),
            jax.ShapeDtypeStruct((B, N, 9), jnp.float32),
        ],
    )(x, wcc_hi, wcc_lo, g_b1, w2_hi, w2_lo, g_b2)


def _stage_b(M9, gate_img, SH, SHT, K):
    B, _, Hc, Wc = M9.shape
    N = Hc * Wc

    def body(m_ref, g_ref, sh_ref, sht_ref, idx_ref, sv_ref, cv_ref):
        y = jnp.zeros((Hc, Wc), jnp.float32)
        for di in range(3):
            acc = jnp.zeros((Hc, Wc), jnp.float32)
            for dj in range(3):
                acc = acc + jnp.dot(m_ref[0, di * 3 + dj], sht_ref[dj],
                                    preferred_element_type=jnp.float32,
                                    precision=lax.Precision.HIGHEST)
            y = y + jnp.dot(sh_ref[di], acc, preferred_element_type=jnp.float32,
                            precision=lax.Precision.HIGHEST)
        s1 = jnp.sum(y, axis=1, keepdims=True)
        mu = jnp.sum(s1, axis=0, keepdims=True) / N
        d = y - mu
        s2 = jnp.sum(d * d, axis=1, keepdims=True)
        var = jnp.sum(s2, axis=0, keepdims=True) / N
        curv = d / jnp.sqrt(var + 1e-5)
        score = (jnp.abs(curv) + g_ref[0]) * 0.5

        rowi = lax.broadcasted_iota(jnp.int32, (Hc, Wc), 0)
        coli = lax.broadcasted_iota(jnp.int32, (Hc, Wc), 1)
        I2 = (rowi * Wc + coli).astype(jnp.float32)
        lane = lax.broadcasted_iota(jnp.int32, (1, K), 1).astype(jnp.float32)

        def it(i, carry):
            sc, ia, va, ca = carry
            mr = jnp.max(sc, axis=1, keepdims=True)
            m = jnp.max(mr, axis=0, keepdims=True)
            cand = jnp.where(sc == m, I2, jnp.float32(1e9))
            ir = jnp.min(cand, axis=1, keepdims=True)
            idx = jnp.min(ir, axis=0, keepdims=True)
            hit = I2 == idx
            cr = jnp.sum(jnp.where(hit, curv, 0.0), axis=1, keepdims=True)
            cval = jnp.sum(cr, axis=0, keepdims=True)
            fi = lane == i.astype(jnp.float32)
            ia = jnp.where(fi, idx, ia)
            va = jnp.where(fi, m, va)
            ca = jnp.where(fi, cval, ca)
            sc = jnp.where(hit, jnp.float32(-3e38), sc)
            return sc, ia, va, ca

        z = jnp.zeros((1, K), jnp.float32)
        _, ia, va, ca = lax.fori_loop(0, K, it, (score, z, z, z))
        b = pl.program_id(0)
        ia = ia + b.astype(jnp.float32) * N
        idx_ref[0] = ia.astype(jnp.int32)
        sv_ref[0] = va
        cv_ref[0] = ca

    return pl.pallas_call(
        body,
        grid=(B,),
        in_specs=[
            pl.BlockSpec((1, 9, Hc, Wc), lambda b: (b, 0, 0, 0)),
            pl.BlockSpec((1, Hc, Wc), lambda b: (b, 0, 0)),
            pl.BlockSpec((3, Hc, Hc), lambda b: (0, 0, 0)),
            pl.BlockSpec((3, Wc, Wc), lambda b: (0, 0, 0)),
        ],
        out_specs=[
            pl.BlockSpec((1, 1, K), lambda b: (b, 0, 0)),
            pl.BlockSpec((1, 1, K), lambda b: (b, 0, 0)),
            pl.BlockSpec((1, 1, K), lambda b: (b, 0, 0)),
        ],
        out_shape=[
            jax.ShapeDtypeStruct((B, 1, K), jnp.int32),
            jax.ShapeDtypeStruct((B, 1, K), jnp.float32),
            jax.ShapeDtypeStruct((B, 1, K), jnp.float32),
        ],
    )(M9, gate_img, SH, SHT)


def _sc_gather(x2d, gidx):
    R = gidx.shape[0]
    C = x2d.shape[1]
    rpw = 8
    nw = R // rpw
    mesh = plsc.VectorSubcoreMesh(core_axis_name="c", subcore_axis_name="s")

    @functools.partial(
        pl.kernel,
        mesh=mesh,
        out_type=jax.ShapeDtypeStruct((R, C), jnp.float32),
        scratch_types=[
            pltpu.VMEM((rpw,), jnp.int32),
            pltpu.VMEM((rpw, C), jnp.float32),
            pltpu.SemaphoreType.DMA,
        ],
    )
    def k(x_hbm, idx_hbm, out_hbm, idx_v, rows_v, sem):
        wid = lax.axis_index("s") * 2 + lax.axis_index("c")

        @pl.when(wid < nw)
        def _():
            base = wid * rpw
            pltpu.sync_copy(idx_hbm.at[pl.ds(base, rpw)], idx_v)
            pltpu.async_copy(x_hbm.at[idx_v], rows_v, sem).wait()
            pltpu.sync_copy(rows_v, out_hbm.at[pl.ds(base, rpw)])

    return k(x2d, gidx)


def _erf(z):
    a1, a2, a3, a4, a5 = 0.254829592, -0.284496736, 1.421413741, -1.453152027, 1.061405429
    p = 0.3275911
    s = jnp.sign(z)
    az = jnp.abs(z)
    t = 1.0 / (1.0 + p * az)
    poly = t * (a1 + t * (a2 + t * (a3 + t * (a4 + t * a5))))
    return s * (1.0 - poly * jnp.exp(-az * az))


def _stage_c(xk, s_top, c_top, alpha2, kv_wT, kv_b2, ln_g2, ln_b2, k_wT, v_wT,
             cpe_mat, cpe_b2, q_w, proj_wT, SH64, kmaskT, vmask, eyeK,
             qk_scale, NH, K):
    B, _, C = xk.shape
    CR = kv_wT.shape[1]
    KB = NH * K

    def body(xk_ref, s_ref, c_ref, a_ref, kvw_ref, kvb_ref, lng_ref, lnb_ref,
             kw_ref, vw_ref, cpem_ref, cpeb_ref, qw_ref, pw_ref, sh_ref,
             km_ref, vm_ref, eye_ref, qkt_ref, vp_ref, cm_ref):
        xs = xk_ref[0]
        kv = jnp.dot(xs, kvw_ref[...], preferred_element_type=jnp.float32) + kvb_ref[...]
        mu = jnp.mean(kv, axis=1, keepdims=True)
        d = kv - mu
        var = jnp.mean(d * d, axis=1, keepdims=True)
        kv = d / jnp.sqrt(var + 1e-5) * lng_ref[...] + lnb_ref[...]
        kv = 0.5 * kv * (1.0 + _erf(kv * (2.0 ** -0.5)))
        k = jnp.dot(kv, kw_ref[...], preferred_element_type=jnp.float32)
        v = jnp.dot(kv, vw_ref[...], preferred_element_type=jnp.float32)
        srow = s_ref[0]
        scol = jnp.sum(eye_ref[...] * srow, axis=1, keepdims=True)
        v = v * scol
        cpem = cpem_ref[...]
        vc = jnp.zeros_like(v)
        for t in range(9):
            vc = vc + jnp.dot(sh_ref[t], v,
                              preferred_element_type=jnp.float32) * cpem[t:t + 1, :]
        v = v + vc + cpeb_ref[...]
        kbt = jnp.concatenate([k] * NH, axis=0) * km_ref[...]
        qkt_ref[0] = jnp.dot(kbt, qw_ref[...],
                             preferred_element_type=jnp.float32) * qk_scale
        vb = jnp.concatenate([v] * NH, axis=0) * vm_ref[...]
        vp_ref[0] = jnp.dot(vb, pw_ref[...], preferred_element_type=jnp.float32)
        crow = c_ref[0]
        cm_ref[0] = jnp.concatenate([crow] * NH, axis=1) * a_ref[0, 0]

    return pl.pallas_call(
        body,
        grid=(B,),
        in_specs=[
            pl.BlockSpec((1, K, C), lambda b: (b, 0, 0)),
            pl.BlockSpec((1, 1, K), lambda b: (b, 0, 0)),
            pl.BlockSpec((1, 1, K), lambda b: (b, 0, 0)),
            pl.BlockSpec((1, 1), lambda b: (0, 0)),
            pl.BlockSpec((C, CR), lambda b: (0, 0)),
            pl.BlockSpec((1, CR), lambda b: (0, 0)),
            pl.BlockSpec((1, CR), lambda b: (0, 0)),
            pl.BlockSpec((1, CR), lambda b: (0, 0)),
            pl.BlockSpec((CR, CR), lambda b: (0, 0)),
            pl.BlockSpec((CR, C), lambda b: (0, 0)),
            pl.BlockSpec((9, C), lambda b: (0, 0)),
            pl.BlockSpec((1, C), lambda b: (0, 0)),
            pl.BlockSpec((CR, C), lambda b: (0, 0)),
            pl.BlockSpec((C, C), lambda b: (0, 0)),
            pl.BlockSpec((9, K, K), lambda b: (0, 0, 0)),
            pl.BlockSpec((KB, CR), lambda b: (0, 0)),
            pl.BlockSpec((KB, C), lambda b: (0, 0)),
            pl.BlockSpec((K, K), lambda b: (0, 0)),
        ],
        out_specs=[
            pl.BlockSpec((1, KB, C), lambda b: (b, 0, 0)),
            pl.BlockSpec((1, KB, C), lambda b: (b, 0, 0)),
            pl.BlockSpec((1, 1, KB), lambda b: (b, 0, 0)),
        ],
        out_shape=[
            jax.ShapeDtypeStruct((B, KB, C), jnp.float32),
            jax.ShapeDtypeStruct((B, KB, C), jnp.float32),
            jax.ShapeDtypeStruct((B, 1, KB), jnp.float32),
        ],
    )(xk, s_top, c_top, alpha2, kv_wT, kv_b2, ln_g2, ln_b2, k_wT, v_wT,
      cpe_mat, cpe_b2, q_w, proj_wT, SH64, kmaskT, vmask, eyeK)


def _stage_d(x, QK, VP, CM, seg, segT, proj_b2, beta2, NH, K, tn=1024):
    B, N, C = x.shape
    KB = NH * K

    def body(x_ref, qk_ref, vp_ref, cm_ref, sg_ref, sgt_ref, pb_ref, bt_ref,
             o_ref):
        xs = x_ref[0]
        lg = jnp.dot(xs, qk_ref[0], preferred_element_type=jnp.float32)
        cm = cm_ref[0]
        beta = bt_ref[0, 0]
        sg = sg_ref[...]
        sgt = sgt_ref[...]
        def seg_norm(e):
            r = 1.0 / jnp.dot(e, sg, preferred_element_type=jnp.float32)
            return e * jnp.dot(r, sgt, preferred_element_type=jnp.float32)

        m1 = jnp.max(lg, axis=1, keepdims=True)
        e1 = jnp.exp(lg - m1)
        p1 = seg_norm(e1)
        lm = lg * (1.0 + cm)
        m2 = jnp.max(lm, axis=1, keepdims=True)
        e2 = jnp.exp(lm - m2)
        p2 = seg_norm(e2)
        attn = beta * p1 + (1.0 - beta) * p2
        o_ref[0] = jnp.dot(attn, vp_ref[0],
                           preferred_element_type=jnp.float32) + pb_ref[...]

    return pl.pallas_call(
        body,
        grid=(B, N // tn),
        in_specs=[
            pl.BlockSpec((1, tn, C), lambda b, i: (b, i, 0)),
            pl.BlockSpec((1, C, KB), lambda b, i: (b, 0, 0)),
            pl.BlockSpec((1, KB, C), lambda b, i: (b, 0, 0)),
            pl.BlockSpec((1, 1, KB), lambda b, i: (b, 0, 0)),
            pl.BlockSpec((KB, NH), lambda b, i: (0, 0)),
            pl.BlockSpec((NH, KB), lambda b, i: (0, 0)),
            pl.BlockSpec((1, C), lambda b, i: (0, 0)),
            pl.BlockSpec((1, 1), lambda b, i: (0, 0)),
        ],
        out_specs=pl.BlockSpec((1, tn, C), lambda b, i: (b, i, 0)),
        out_shape=jax.ShapeDtypeStruct((B, N, C), jnp.float32),
    )(x, QK, VP, CM, seg, segT, proj_b2, beta2)


def kernel(x, H, W, cc_w, g_w1, g_b1, g_w2, g_b2, q_w, kv_w, kv_b, ln_g, ln_b,
           k_w, v_w, cpe_w, cpe_b, proj_w, proj_b, alpha, beta):
    B, N, C = x.shape
    Hc = int(math.isqrt(N))
    Wc = N // Hc
    NH = 8
    CR = q_w.shape[0]
    qk_scale = ((C // NH) * 0.5) ** -0.5
    time_level = max(2, max(int(math.log(Hc // 16, 4)), int(math.log(Wc // 16, 4))))
    sc = 4 ** time_level
    K = (Hc // sc) * (Wc // sc)
    Hs = Hc // sc

    cc_mat = cc_w.reshape(C, 9) / C
    cpe_mat = cpe_w.reshape(C, 9).T
    SH = jnp.stack([jnp.eye(Hc, k=o, dtype=jnp.float32) for o in (-1, 0, 1)])
    SHT = jnp.stack([jnp.eye(Wc, k=o, dtype=jnp.float32).T for o in (-1, 0, 1)])
    A8 = [jnp.eye(Hs, k=o, dtype=jnp.float32) for o in (-1, 0, 1)]
    SH64 = jnp.stack([jnp.kron(A8[di], A8[dj])
                      for di in range(3) for dj in range(3)])
    hk = jnp.arange(NH * K) // K
    kmaskT = (hk[:, None] == (jnp.arange(CR) // (CR // NH))[None, :]).astype(jnp.float32)
    vmask = (hk[:, None] == (jnp.arange(C) // (C // NH))[None, :]).astype(jnp.float32)
    eyeK = jnp.eye(K, dtype=jnp.float32)
    seg = (hk[:, None] == jnp.arange(NH)[None, :]).astype(jnp.float32)

    gate, M = _stage_a(x, g_w1.T, g_b1.reshape(1, CR), g_w2.T,
                       g_b2.reshape(1, 1), cc_mat)
    M9 = M.transpose(0, 2, 1).reshape(B, 9, Hc, Wc)
    gate_img = gate.reshape(B, Hc, Wc)

    gidx, s_top, c_top = _stage_b(M9, gate_img, SH, SHT, K)

    xk = _sc_gather(x.reshape(B * N, C), gidx.reshape(B * K)).reshape(B, K, C)

    QKT, VP, CM = _stage_c(
        xk, s_top, c_top, alpha.reshape(1, 1), kv_w.T, kv_b.reshape(1, CR),
        ln_g.reshape(1, CR), ln_b.reshape(1, CR), k_w.T, v_w.T, cpe_mat,
        cpe_b.reshape(1, C), q_w, proj_w.T, SH64, kmaskT, vmask, eyeK,
        qk_scale, NH, K)

    out = _stage_d(x, QKT.transpose(0, 2, 1), VP, CM, seg, seg.T,
                   proj_b.reshape(1, C), beta.reshape(1, 1), NH, K)
    return out

# --- scband reference (transcript-rebuilt; emitter-appended) ---
"""Pipeline reference for scband-cgta-34608846471843 (READ-ONLY COPY).

The authoritative reference and input builder live on the scoring server;
editing this copy changes nothing except your own understanding.
"""

import jax, jax.numpy as jnp
import numpy as np
import math

def _dwconv(x, w, b=None):
    out = jax.lax.conv_general_dilated(x, w, (1, 1), ((1, 1), (1, 1)), dimension_numbers=('NCHW', 'OIHW', 'NCHW'), feature_group_count=x.shape[1])
    if b is not None:
        out = out + b[None, :, None, None]
    return out

def _ln(x, g=None, b=None, eps=1e-05):
    m = jnp.mean(x, axis=-1, keepdims=True)
    v = jnp.var(x, axis=-1, keepdims=True)
    y = (x - m) / jnp.sqrt(v + eps)
    if g is not None:
        y = y * g + b
    return y

def _forward(x, H, W, cc_w, g_w1, g_b1, g_w2, g_b2, q_w, kv_w, kv_b, ln_g, ln_b, k_w, v_w, cpe_w, cpe_b, proj_w, proj_b, alpha, beta):
    B, N, C = x.shape
    Hc = int(math.isqrt(N))
    Wc = N // Hc
    x = x + jnp.zeros((), x.dtype) * (jnp.asarray(H, x.dtype) + jnp.asarray(W, x.dtype))
    nh = 8
    cr = q_w.shape[0]
    hd = cr // nh
    qk_scale = ((C // nh) * 0.5) ** -0.5
    _x = jnp.transpose(x, (0, 2, 1)).reshape(B, C, Hc, Wc)
    curvature = _dwconv(_x, cc_w).mean(axis=1).reshape(B, -1)
    curvature = _ln(curvature)
    gate_h = jax.nn.relu(x @ g_w1.T + g_b1)
    gate_score = jax.nn.sigmoid(gate_h @ g_w2.T + g_b2)[..., 0]
    score = (jnp.abs(curvature) + gate_score) / 2.0
    time_level = max(2, max(int(math.log(Hc // 16, 4)), int(math.log(Wc // 16, 4))))
    sc = 4 ** time_level
    k_tokens = (Hc // sc) * (Wc // sc)
    topk_idx = jax.lax.stop_gradient(jax.lax.top_k(score, k_tokens)[1])
    x_topk = jnp.take_along_axis(x, topk_idx[:, :, None], axis=1)
    score_topk = jnp.take_along_axis(score, topk_idx, axis=1)
    q = (x @ q_w.T).reshape(B, N, nh, hd).transpose(0, 2, 1, 3)
    kv = x_topk @ kv_w.T + kv_b
    kv = jax.nn.gelu(_ln(kv, ln_g, ln_b), approximate=False)
    k = (kv @ k_w.T).reshape(B, k_tokens, nh, hd).transpose(0, 2, 1, 3)
    v = (kv @ v_w.T).reshape(B, k_tokens, nh, C // nh).transpose(0, 2, 1, 3)
    v = v * score_topk[:, None, :, None]
    curv_topk = jnp.take_along_axis(curvature, topk_idx, axis=1)
    attn_logits = (q @ jnp.swapaxes(k, -2, -1)) * qk_scale
    attn_mod = attn_logits * (1.0 + alpha[0] * curv_topk[:, None, None, :])
    attn_std = jax.nn.softmax(attn_logits, axis=-1)
    attn_cga = jax.nn.softmax(attn_mod, axis=-1)
    attn = beta * attn_std + (1.0 - beta) * attn_cga
    Hs, Ws = Hc // sc, Wc // sc
    v_sp = jnp.swapaxes(v, 1, 2).reshape(B, k_tokens, C)
    v_sp = jnp.swapaxes(v_sp, 1, 2).reshape(B, C, Hs, Ws)
    v_c = _dwconv(v_sp, cpe_w, cpe_b).reshape(B, C, k_tokens).reshape(B, nh, C // nh, k_tokens)
    v = v + jnp.swapaxes(v_c, -1, -2)
    out = jnp.swapaxes(attn @ v, 1, 2).reshape(B, N, C)
    out = out @ proj_w.T + proj_b
    return out

def setup_inputs(seed: int = 0):
    key = jax.random.key(seed)
    B, N, C = 2, 16384, 384
    H = 128
    W = 128
    cr = C // 2
    ks = jax.random.split(key, 16)
    s = 0.02
    return {
        'x': jax.random.normal(ks[0], (B, N, C), jnp.float32),
        'H': H, 'W': W,
        'cc_w': jax.random.normal(ks[1], (C, 1, 3, 3), jnp.float32) * s,
        'g_w1': jax.random.normal(ks[2], (C // 2, C), jnp.float32) * s,
        'g_b1': jnp.zeros((C // 2,), jnp.float32),
        'g_w2': jax.random.normal(ks[3], (1, C // 2), jnp.float32) * s,
        'g_b2': jnp.zeros((1,), jnp.float32),
        'q_w': jax.random.normal(ks[4], (cr, C), jnp.float32) * s,
        'kv_w': jax.random.normal(ks[5], (cr, C), jnp.float32) * s,
        'kv_b': jnp.zeros((cr,), jnp.float32),
        'ln_g': jnp.ones((cr,), jnp.float32),
        'ln_b': jnp.zeros((cr,), jnp.float32),
        'k_w': jax.random.normal(ks[6], (cr, cr), jnp.float32) * s,
        'v_w': jax.random.normal(ks[7], (C, cr), jnp.float32) * s,
        'cpe_w': jax.random.normal(ks[8], (C, 1, 3, 3), jnp.float32) * s,
        'cpe_b': jnp.zeros((C,), jnp.float32),
        'proj_w': jax.random.normal(ks[9], (C, C), jnp.float32) * s,
        'proj_b': jnp.zeros((C,), jnp.float32),
        'alpha': jnp.full((1,), 0.1, jnp.float32),
        'beta': jnp.array(0.5, jnp.float32),
    }

def reference(x, H, W, cc_w, g_w1, g_b1, g_w2, g_b2, q_w, kv_w, kv_b, ln_g, ln_b, k_w, v_w, cpe_w, cpe_b, proj_w, proj_b, alpha, beta):
    return _forward(x, H, W, cc_w, g_w1, g_b1, g_w2, g_b2, q_w, kv_w, kv_b, ln_g, ln_b, k_w, v_w, cpe_w, cpe_b, proj_w, proj_b, alpha, beta)

if __name__ == "__main__":
    import jax
    _d = setup_inputs()
    print(jax.jit(kernel)(*tuple(_d.values())))

</pallas_src>

<mosaic_0001>
#map = affine_map<(d0, d1) -> (0, 0)>
#map1 = affine_map<(d0, d1) -> (0)>
module attributes {stable_mosaic.version = 14 : i64} {
  func.func @k(%arg0: i32, %arg1: i32, %arg2: memref<32768x384xf32, #tpu.memory_space<hbm>>, %arg3: memref<128xi32, #tpu.memory_space<hbm>>, %arg4: memref<128x384xf32, #tpu.memory_space<hbm>>, %arg5: memref<8xi32, #tpu.memory_space<vmem>>, %arg6: memref<8x384xf32, #tpu.memory_space<vmem>>, %arg7: memref<!tpu.dma_semaphore, #tpu.memory_space<semaphore_mem>>) attributes {dimension_semantics = [#tpu.dimension_semantics<core_parallel>, #tpu.dimension_semantics<subcore_parallel>], iteration_bounds = array<i64: 2, 16>, scalar_prefetch = 0 : i64, scratch_operands = 3 : i64, tpu.core_type = #tpu.core_type<sc_vector_subcore>, window_params = [{transform_indices = #map}, {transform_indices = #map1}, {transform_indices = #map}]} {
    %mul3A = arith.constant 2 : i32
    %mul3A_0 = arith.muli %arg1, %mul3A : i32
    %add3A = arith.addi %mul3A_0, %arg0 : i32
    %lt3A = arith.constant 16 : i32
    %lt3A_1 = arith.cmpi slt, %add3A, %lt3A : i32
    %convert_element_type3A = arith.extui %lt3A_1 : i1 to i32
    %cond3A = arith.constant 0 : i32
    %cond3A_2 = arith.cmpi ne, %convert_element_type3A, %cond3A : i32
    scf.if %cond3A_2 {
      %mul3A_3 = arith.constant 8 : i32
      %mul3A_4 = arith.muli %add3A, %mul3A_3 : i32
      "tpu.region"() ({
        %run_scoped3A = tpu.sem_alloc : memref<!tpu.dma_semaphore, #tpu.memory_space<semaphore_mem>>
        %dma_start3A_9 = tpu.memref_slice %arg3[%mul3A_4] : memref<128xi32, #tpu.memory_space<hbm>> -> memref<8xi32, #tpu.memory_space<hbm>>
        %dma_start3A_10 = tpu.memref_slice %arg3[%mul3A_4] : memref<128xi32, #tpu.memory_space<hbm>> -> memref<8xi32, #tpu.memory_space<hbm>>
        tpu.enqueue_dma source(%dma_start3A_10 : memref<8xi32, #tpu.memory_space<hbm>>) target(%arg5 : memref<8xi32, #tpu.memory_space<vmem>>) target_semaphore(%run_scoped3A : memref<!tpu.dma_semaphore, #tpu.memory_space<semaphore_mem>>)
        %dma_wait3A_11 = tpu.memref_slice %arg3[%mul3A_4] : memref<128xi32, #tpu.memory_space<hbm>> -> memref<8xi32, #tpu.memory_space<hbm>>
        %dma_wait3A_12 = tpu.memref_slice %arg3[%mul3A_4] : memref<128xi32, #tpu.memory_space<hbm>> -> memref<8xi32, #tpu.memory_space<hbm>>
        tpu.wait_dma2 semaphore(%run_scoped3A : memref<!tpu.dma_semaphore, #tpu.memory_space<semaphore_mem>>) src(%dma_wait3A_12 : memref<8xi32, #tpu.memory_space<hbm>>) dst(%arg5 : memref<8xi32, #tpu.memory_space<vmem>>)
        tpu.yield
      }) : () -> ()
      %dma_start3A = arith.constant 0 : i32
      %dma_start3A_5 = arith.constant 0 : i32
      %dma_start3A_6 = tpu.memref_slice %arg2[%dma_start3A, %dma_start3A_5] : memref<32768x384xf32, #tpu.memory_space<hbm>> -> memref<32768x384xf32, #tpu.memory_space<hbm>>
      tpu.enqueue_indirect_dma source(%dma_start3A_6 : memref<32768x384xf32, #tpu.memory_space<hbm>>) target(%arg6 : memref<8x384xf32, #tpu.memory_space<vmem>>) offsets(%arg5 : memref<8xi32, #tpu.memory_space<vmem>>) semaphore(%arg7 : memref<!tpu.dma_semaphore, #tpu.memory_space<semaphore_mem>>)
      %dma_wait3A = arith.constant 0 : i32
      %dma_wait3A_7 = arith.constant 0 : i32
      %dma_wait3A_8 = tpu.memref_slice %arg2[%dma_wait3A, %dma_wait3A_7] : memref<32768x384xf32, #tpu.memory_space<hbm>> -> memref<32768x384xf32, #tpu.memory_space<hbm>>
      tpu.wait_indirect_dma semaphore(%arg7 : memref<!tpu.dma_semaphore, #tpu.memory_space<semaphore_mem>>) src(%dma_wait3A_8 : memref<32768x384xf32, #tpu.memory_space<hbm>>) dst(%arg6 : memref<8x384xf32, #tpu.memory_space<vmem>>)
      "tpu.region"() ({
        %run_scoped3A = tpu.sem_alloc : memref<!tpu.dma_semaphore, #tpu.memory_space<semaphore_mem>>
        %dma_start3A_9 = arith.constant 0 : i32
        %dma_start3A_10 = tpu.memref_slice %arg4[%mul3A_4, %dma_start3A_9] : memref<128x384xf32, #tpu.memory_space<hbm>> -> memref<8x384xf32, #tpu.memory_space<hbm>>
        %dma_start3A_11 = arith.constant 0 : i32
        %dma_start3A_12 = tpu.memref_slice %arg4[%mul3A_4, %dma_start3A_11] : memref<128x384xf32, #tpu.memory_space<hbm>> -> memref<8x384xf32, #tpu.memory_space<hbm>>
        tpu.enqueue_dma source(%arg6 : memref<8x384xf32, #tpu.memory_space<vmem>>) target(%dma_start3A_12 : memref<8x384xf32, #tpu.memory_space<hbm>>) target_semaphore(%run_scoped3A : memref<!tpu.dma_semaphore, #tpu.memory_space<semaphore_mem>>)
        %dma_wait3A_13 = arith.constant 0 : i32
        %dma_wait3A_14 = tpu.memref_slice %arg4[%mul3A_4, %dma_wait3A_13] : memref<128x384xf32, #tpu.memory_space<hbm>> -> memref<8x384xf32, #tpu.memory_space<hbm>>
        %dma_wait3A_15 = arith.constant 0 : i32
        %dma_wait3A_16 = tpu.memref_slice %arg4[%mul3A_4, %dma_wait3A_15] : memref<128x384xf32, #tpu.memory_space<hbm>> -> memref<8x384xf32, #tpu.memory_space<hbm>>
        tpu.wait_dma2 semaphore(%run_scoped3A : memref<!tpu.dma_semaphore, #tpu.memory_space<semaphore_mem>>) src(%arg6 : memref<8x384xf32, #tpu.memory_space<vmem>>) dst(%dma_wait3A_16 : memref<8x384xf32, #tpu.memory_space<hbm>>)
        tpu.yield
      }) : () -> ()
    } else {
    }
    return
  }
}

module attributes {stable_mosaic.version = 14 : i64} {
  func.func @body(%arg0: i32, %arg1: i32, %arg2: memref<1x2048x384xf32, #tpu.memory_space<vmem>>, %arg3: memref<384x256xbf16, #tpu.memory_space<vmem>>, %arg4: memref<384x256xbf16, #tpu.memory_space<vmem>>, %arg5: memref<1x192xf32, #tpu.memory_space<vmem>>, %arg6: memref<192x1xbf16, #tpu.memory_space<vmem>>, %arg7: memref<192x1xbf16, #tpu.memory_space<vmem>>, %arg8: memref<1x1xf32, #tpu.memory_space<vmem>>, %arg9: memref<1x2048x1xf32, #tpu.memory_space<vmem>>, %arg10: memref<1x2048x9xf32, #tpu.memory_space<vmem>>) attributes {dimension_semantics = [#tpu.dimension_semantics<arbitrary>, #tpu.dimension_semantics<arbitrary>], iteration_bounds = array<i64: 2, 8>, scalar_prefetch = 0 : i64, scratch_operands = 0 : i64, tpu.core_type = #tpu.core_type<tc>, window_params = [{transform_indices = @transform_0, window_bounds = array<i64: 1, 2048, 384>}, {pipeline_mode = #tpu.pipeline_mode<synchronous>, transform_indices = @transform_1, window_bounds = array<i64: 384, 256>}, {pipeline_mode = #tpu.pipeline_mode<synchronous>, transform_indices = @transform_2, window_bounds = array<i64: 384, 256>}, {pipeline_mode = #tpu.pipeline_mode<synchronous>, transform_indices = @transform_3, window_bounds = array<i64: 1, 192>}, {pipeline_mode = #tpu.pipeline_mode<synchronous>, transform_indices = @transform_4, window_bounds = array<i64: 192, 1>}, {pipeline_mode = #tpu.pipeline_mode<synchronous>, transform_indices = @transform_5, window_bounds = array<i64: 192, 1>}, {pipeline_mode = #tpu.pipeline_mode<synchronous>, transform_indices = @transform_6, window_bounds = array<i64: 1, 1>}, {transform_indices = @transform_7, window_bounds = array<i64: 1, 2048, 1>}, {transform_indices = @transform_8, window_bounds = array<i64: 1, 2048, 9>}]} {
    %get3A = arith.constant 0 : index
    %get3A_0 = arith.constant 0 : index
    %get3A_1 = arith.constant 0 : index
    %get3A_2 = vector.load %arg2[%get3A, %get3A_0, %get3A_1] : memref<1x2048x384xf32, #tpu.memory_space<vmem>>, vector<1x2048x384xf32>
    %get3A_3 = vector.shape_cast %get3A_2 : vector<1x2048x384xf32> to vector<2048x384xf32>
    %get3A_4 = arith.constant 0 : index
    %get3A_5 = arith.constant 0 : index
    %get3A_6 = vector.load %arg3[%get3A_4, %get3A_5] : memref<384x256xbf16, #tpu.memory_space<vmem>>, vector<384x256xbf16>
    %get3A_7 = arith.constant 0 : index
    %get3A_8 = arith.constant 0 : index
    %get3A_9 = vector.load %arg4[%get3A_7, %get3A_8] : memref<384x256xbf16, #tpu.memory_space<vmem>>, vector<384x256xbf16>
    %convert_element_type3A = arith.truncf %get3A_3 : vector<2048x384xf32> to vector<2048x384xbf16>
    %convert_element_type3A_10 = arith.extf %convert_element_type3A : vector<2048x384xbf16> to vector<2048x384xf32>
    %sub3A = arith.subf %get3A_3, %convert_element_type3A_10 : vector<2048x384xf32>
    %convert_element_type3A_11 = arith.truncf %sub3A : vector<2048x384xf32> to vector<2048x384xbf16>
    %dot_general3A = arith.constant dense<0.000000e+00> : vector<2048x256xf32>
    %dot_general3A_12 = tpu.matmul %convert_element_type3A, %get3A_6, %dot_general3A {dimension_numbers = #tpu.dot_dimension_numbers<[1], [0], [0], [1], [0, 0, 1, 1], [], []>, transpose_lhs_hint = false} : vector<2048x384xbf16>, vector<384x256xbf16>, vector<2048x256xf32> -> vector<2048x256xf32>
    %dot_general3A_13 = arith.constant dense<0.000000e+00> : vector<2048x256xf32>
    %dot_general3A_14 = tpu.matmul %convert_element_type3A, %get3A_9, %dot_general3A_13 {dimension_numbers = #tpu.dot_dimension_numbers<[1], [0], [0], [1], [0, 0, 1, 1], [], []>, transpose_lhs_hint = false} : vector<2048x384xbf16>, vector<384x256xbf16>, vector<2048x256xf32> -> vector<2048x256xf32>
    %add3A = arith.addf %dot_general3A_12, %dot_general3A_14 : vector<2048x256xf32>
    %dot_general3A_15 = arith.constant dense<0.000000e+00> : vector<2048x256xf32>
    %dot_general3A_16 = tpu.matmul %convert_element_type3A_11, %get3A_6, %dot_general3A_15 {dimension_numbers = #tpu.dot_dimension_numbers<[1], [0], [0], [1], [0, 0, 1, 1], [], []>, transpose_lhs_hint = false} : vector<2048x384xbf16>, vector<384x256xbf16>, vector<2048x256xf32> -> vector<2048x256xf32>
    %add3A_17 = arith.addf %add3A, %dot_general3A_16 : vector<2048x256xf32>
    %slice3A = vector.extract_strided_slice %add3A_17 {offsets = [0, 0], sizes = [2048, 192], strides = [1, 1]} : vector<2048x256xf32> to vector<2048x192xf32>
    %get3A_18 = arith.constant 0 : index
    %get3A_19 = arith.constant 0 : index
    %get3A_20 = vector.load %arg5[%get3A_18, %get3A_19] : memref<1x192xf32, #tpu.memory_space<vmem>>, vector<1x192xf32>
    %add3A_21 = vector.broadcast %get3A_20 : vector<1x192xf32> to vector<2048x192xf32>
    %add3A_22 = arith.addf %slice3A, %add3A_21 : vector<2048x192xf32>
    %max3A = arith.constant 0.000000e+00 : f32
    %max3A_23 = vector.broadcast %max3A : f32 to vector<2048x192xf32>
    %max3A_24 = arith.maximumf %add3A_22, %max3A_23 : vector<2048x192xf32>
    %slice3A_25 = vector.extract_strided_slice %add3A_17 {offsets = [0, 192], sizes = [2048, 9], strides = [1, 1]} : vector<2048x256xf32> to vector<2048x9xf32>
    %swap3A = arith.constant 0 : index
    %swap3A_26 = arith.constant 0 : index
    %swap3A_27 = arith.constant 0 : index
    %swap3A_28 = vector.load %arg10[%swap3A, %swap3A_26, %swap3A_27] : memref<1x2048x9xf32, #tpu.memory_space<vmem>>, vector<1x2048x9xf32>
    %swap3A_29 = vector.shape_cast %swap3A_28 : vector<1x2048x9xf32> to vector<2048x9xf32>
    %swap3A_30 = vector.shape_cast %slice3A_25 : vector<2048x9xf32> to vector<1x2048x9xf32>
    tpu.vector_store %arg10[%swap3A, %swap3A_26, %swap3A_27], %swap3A_30 {strides = array<i32>} : memref<1x2048x9xf32, #tpu.memory_space<vmem>>, vector<1x2048x9xf32>,
    %get3A_31 = arith.constant 0 : index
    %get3A_32 = arith.constant 0 : index
    %get3A_33 = vector.load %arg6[%get3A_31, %get3A_32] : memref<192x1xbf16, #tpu.memory_space<vmem>>, vector<192x1xbf16>
    %get3A_34 = arith.constant 0 : index
    %get3A_35 = arith.constant 0 : index
    %get3A_36 = vector.load %arg7[%get3A_34, %get3A_35] : memref<192x1xbf16, #tpu.memory_space<vmem>>, vector<192x1xbf16>
    %convert_element_type3A_37 = arith.truncf %max3A_24 : vector<2048x192xf32> to vector<2048x192xbf16>
    %convert_element_type3A_38 = arith.extf %convert_element_type3A_37 : vector<2048x192xbf16> to vector<2048x192xf32>
    %sub3A_39 = arith.subf %max3A_24, %convert_element_type3A_38 : vector<2048x192xf32>
    %convert_element_type3A_40 = arith.truncf %sub3A_39 : vector<2048x192xf32> to vector<2048x192xbf16>
    %dot_general3A_41 = arith.constant dense<0.000000e+00> : vector<2048x1xf32>
    %dot_general3A_42 = tpu.matmul %convert_element_type3A_37, %get3A_33, %dot_general3A_41 {dimension_numbers = #tpu.dot_dimension_numbers<[1], [0], [0], [1], [0, 0, 1, 1], [], []>, transpose_lhs_hint = false} : vector<2048x192xbf16>, vector<192x1xbf16>, vector<2048x1xf32> -> vector<2048x1xf32>
    %dot_general3A_43 = arith.constant dense<0.000000e+00> : vector<2048x1xf32>
    %dot_general3A_44 = tpu.matmul %convert_element_type3A_37, %get3A_36, %dot_general3A_43 {dimension_numbers = #tpu.dot_dimension_numbers<[1], [0], [0], [1], [0, 0, 1, 1], [], []>, transpose_lhs_hint = false} : vector<2048x192xbf16>, vector<192x1xbf16>, vector<2048x1xf32> -> vector<2048x1xf32>
    %add3A_45 = arith.addf %dot_general3A_42, %dot_general3A_44 : vector<2048x1xf32>
    %dot_general3A_46 = arith.constant dense<0.000000e+00> : vector<2048x1xf32>
    %dot_general3A_47 = tpu.matmul %convert_element_type3A_40, %get3A_33, %dot_general3A_46 {dimension_numbers = #tpu.dot_dimension_numbers<[1], [0], [0], [1], [0, 0, 1, 1], [], []>, transpose_lhs_hint = false} : vector<2048x192xbf16>, vector<192x1xbf16>, vector<2048x1xf32> -> vector<2048x1xf32>
    %add3A_48 = arith.addf %add3A_45, %dot_general3A_47 : vector<2048x1xf32>
    %get3A_49 = arith.constant 0 : index
    %get3A_50 = arith.constant 0 : index
    %get3A_51 = vector.load %arg8[%get3A_49, %get3A_50] : memref<1x1xf32, #tpu.memory_space<vmem>>, vector<1x1xf32>
    %add3A_52 = vector.broadcast %get3A_51 : vector<1x1xf32> to vector<2048x1xf32>
    %add3A_53 = arith.addf %add3A_48, %add3A_52 : vector<2048x1xf32>
    %neg3A = arith.constant 0.000000e+00 : f32
    %neg3A_54 = vector.broadcast %neg3A : f32 to vector<2048x1xf32>
    %neg3A_55 = arith.subf %neg3A_54, %add3A_53 : vector<2048x1xf32>
    %exp3A = math.exp %neg3A_55 : vector<2048x1xf32>
    %add3A_56 = arith.constant 1.000000e+00 : f32
    %add3A_57 = vector.broadcast %add3A_56 : f32 to vector<2048x1xf32>
    %add3A_58 = arith.addf %add3A_57, %exp3A : vector<2048x1xf32>
    %div3A = arith.constant 1.000000e+00 : f32
    %div3A_59 = vector.broadcast %div3A : f32 to vector<2048x1xf32>
    %div3A_60 = arith.divf %div3A_59, %add3A_58 : vector<2048x1xf32>
    %swap3A_61 = arith.constant 0 : index
    %swap3A_62 = arith.constant 0 : index
    %swap3A_63 = arith.constant 0 : index
    %swap3A_64 = vector.load %arg9[%swap3A_61, %swap3A_62, %swap3A_63] : memref<1x2048x1xf32, #tpu.memory_space<vmem>>, vector<1x2048x1xf32>
    %swap3A_65 = vector.shape_cast %swap3A_64 : vector<1x2048x1xf32> to vector<2048x1xf32>
    %swap3A_66 = vector.shape_cast %div3A_60 : vector<2048x1xf32> to vector<1x2048x1xf32>
    tpu.vector_store %arg9[%swap3A_61, %swap3A_62, %swap3A_63], %swap3A_66 {strides = array<i32>} : memref<1x2048x1xf32, #tpu.memory_space<vmem>>, vector<1x2048x1xf32>,
    return
  }
  func.func @transform_0(%arg0: i32, %arg1: i32) -> (i32, i32, i32) {
    %c0_i32 = arith.constant 0 : i32
    %c0_i32_0 = arith.constant 0 : i32
    return %arg0, %arg1, %c0_i32 : i32, i32, i32
  }
  func.func @transform_1(%arg0: i32, %arg1: i32) -> (i32, i32) {
    %c0_i32 = arith.constant 0 : i32
    %c0_i32_0 = arith.constant 0 : i32
    %c0_i32_1 = arith.constant 0 : i32
    return %c0_i32, %c0_i32_0 : i32, i32
  }
  func.func @transform_2(%arg0: i32, %arg1: i32) -> (i32, i32) {
    %c0_i32 = arith.constant 0 : i32
    %c0_i32_0 = arith.constant 0 : i32
    %c0_i32_1 = arith.constant 0 : i32
    return %c0_i32, %c0_i32_0 : i32, i32
  }
  func.func @transform_3(%arg0: i32, %arg1: i32) -> (i32, i32) {
    %c0_i32 = arith.constant 0 : i32
    %c0_i32_0 = arith.constant 0 : i32
    %c0_i32_1 = arith.constant 0 : i32
    return %c0_i32, %c0_i32_0 : i32, i32
  }
  func.func @transform_4(%arg0: i32, %arg1: i32) -> (i32, i32) {
    %c0_i32 = arith.constant 0 : i32
    %c0_i32_0 = arith.constant 0 : i32
    %c0_i32_1 = arith.constant 0 : i32
    return %c0_i32, %c0_i32_0 : i32, i32
  }
  func.func @transform_5(%arg0: i32, %arg1: i32) -> (i32, i32) {
    %c0_i32 = arith.constant 0 : i32
    %c0_i32_0 = arith.constant 0 : i32
    %c0_i32_1 = arith.constant 0 : i32
    return %c0_i32, %c0_i32_0 : i32, i32
  }
  func.func @transform_6(%arg0: i32, %arg1: i32) -> (i32, i32) {
    %c0_i32 = arith.constant 0 : i32
    %c0_i32_0 = arith.constant 0 : i32
    %c0_i32_1 = arith.constant 0 : i32
    return %c0_i32, %c0_i32_0 : i32, i32
  }
  func.func @transform_7(%arg0: i32, %arg1: i32) -> (i32, i32, i32) {
    %c0_i32 = arith.constant 0 : i32
    %c0_i32_0 = arith.constant 0 : i32
    return %arg0, %arg1, %c0_i32 : i32, i32, i32
  }
  func.func @transform_8(%arg0: i32, %arg1: i32) -> (i32, i32, i32) {
    %c0_i32 = arith.constant 0 : i32
    %c0_i32_0 = arith.constant 0 : i32
    return %arg0, %arg1, %c0_i32 : i32, i32, i32
  }
}

module attributes {stable_mosaic.version = 14 : i64} {
  func.func @body(%arg0: i32, %arg1: memref<1x9x128x128xf32, #tpu.memory_space<vmem>>, %arg2: memref<1x128x128xf32, #tpu.memory_space<vmem>>, %arg3: memref<3x128x128xf32, #tpu.memory_space<vmem>>, %arg4: memref<3x128x128xf32, #tpu.memory_space<vmem>>, %arg5: memref<1x1x64xi32, #tpu.memory_space<vmem>>, %arg6: memref<1x1x64xf32, #tpu.memory_space<vmem>>, %arg7: memref<1x1x64xf32, #tpu.memory_space<vmem>>) attributes {dimension_semantics = [#tpu.dimension_semantics<arbitrary>], iteration_bounds = array<i64: 2>, scalar_prefetch = 0 : i64, scratch_operands = 0 : i64, tpu.core_type = #tpu.core_type<tc>, window_params = [{transform_indices = @transform_0, window_bounds = array<i64: 1, 9, 128, 128>}, {transform_indices = @transform_1, window_bounds = array<i64: 1, 128, 128>}, {pipeline_mode = #tpu.pipeline_mode<synchronous>, transform_indices = @transform_2, window_bounds = array<i64: 3, 128, 128>}, {pipeline_mode = #tpu.pipeline_mode<synchronous>, transform_indices = @transform_3, window_bounds = array<i64: 3, 128, 128>}, {transform_indices = @transform_4, window_bounds = array<i64: 1, 1, 64>}, {transform_indices = @transform_5, window_bounds = array<i64: 1, 1, 64>}, {transform_indices = @transform_6, window_bounds = array<i64: 1, 1, 64>}]} {
    %broadcast_in_dim3A = arith.constant 0.000000e+00 : f32
    %broadcast_in_dim3A_0 = vector.broadcast %broadcast_in_dim3A : f32 to vector<128x128xf32>
    %broadcast_in_dim3A_1 = arith.constant 0.000000e+00 : f32
    %broadcast_in_dim3A_2 = vector.broadcast %broadcast_in_dim3A_1 : f32 to vector<128x128xf32>
    %get3A = arith.constant 0 : index
    %get3A_3 = arith.constant 0 : index
    %get3A_4 = arith.constant 0 : index
    %get3A_5 = arith.constant 0 : index
    %get3A_6 = vector.load %arg1[%get3A, %get3A_3, %get3A_4, %get3A_5] : memref<1x9x128x128xf32, #tpu.memory_space<vmem>>, vector<1x1x128x128xf32>
    %get3A_7 = vector.shape_cast %get3A_6 : vector<1x1x128x128xf32> to vector<128x128xf32>
    %get3A_8 = arith.constant 0 : index
    %get3A_9 = arith.constant 0 : index
    %get3A_10 = arith.constant 0 : index
    %get3A_11 = vector.load %arg4[%get3A_8, %get3A_9, %get3A_10] : memref<3x128x128xf32, #tpu.memory_space<vmem>>, vector<1x128x128xf32>
    %get3A_12 = vector.shape_cast %get3A_11 : vector<1x128x128xf32> to vector<128x128xf32>
    %dot_general3A = arith.constant dense<0.000000e+00> : vector<128x128xf32>
    %dot_general3A_13 = tpu.matmul %get3A_7, %get3A_12, %dot_general3A {dimension_numbers = #tpu.dot_dimension_numbers<[1], [0], [0], [1], [0, 0, 1, 1], [], []>, precision = #tpu.contract_precision<fp32>, transpose_lhs_hint = false} : vector<128x128xf32>, vector<128x128xf32>, vector<128x128xf32> -> vector<128x128xf32>
    %add3A = arith.addf %broadcast_in_dim3A_2, %dot_general3A_13 : vector<128x128xf32>
    %get3A_14 = arith.constant 0 : index
    %get3A_15 = arith.constant 1 : index
    %get3A_16 = arith.constant 0 : index
    %get3A_17 = arith.constant 0 : index
    %get3A_18 = vector.load %arg1[%get3A_14, %get3A_15, %get3A_16, %get3A_17] : memref<1x9x128x128xf32, #tpu.memory_space<vmem>>, vector<1x1x128x128xf32>
    %get3A_19 = vector.shape_cast %get3A_18 : vector<1x1x128x128xf32> to vector<128x128xf32>
    %get3A_20 = arith.constant 1 : index
    %get3A_21 = arith.constant 0 : index
    %get3A_22 = arith.constant 0 : index
    %get3A_23 = vector.load %arg4[%get3A_20, %get3A_21, %get3A_22] : memref<3x128x128xf32, #tpu.memory_space<vmem>>, vector<1x128x128xf32>
    %get3A_24 = vector.shape_cast %get3A_23 : vector<1x128x128xf32> to vector<128x128xf32>
    %dot_general3A_25 = arith.constant dense<0.000000e+00> : vector<128x128xf32>
    %dot_general3A_26 = tpu.matmul %get3A_19, %get3A_24, %dot_general3A_25 {dimension_numbers = #tpu.dot_dimension_numbers<[1], [0], [0], [1], [0, 0, 1, 1], [], []>, precision = #tpu.contract_precision<fp32>, transpose_lhs_hint = false} : vector<128x128xf32>, vector<128x128xf32>, vector<128x128xf32> -> vector<128x128xf32>
    %add3A_27 = arith.addf %add3A, %dot_general3A_26 : vector<128x128xf32>
    %get3A_28 = arith.constant 0 : index
    %get3A_29 = arith.constant 2 : index
    %get3A_30 = arith.constant 0 : index
    %get3A_31 = arith.constant 0 : index
    %get3A_32 = vector.load %arg1[%get3A_28, %get3A_29, %get3A_30, %get3A_31] : memref<1x9x128x128xf32, #tpu.memory_space<vmem>>, vector<1x1x128x128xf32>
    %get3A_33 = vector.shape_cast %get3A_32 : vector<1x1x128x128xf32> to vector<128x128xf32>
    %get3A_34 = arith.constant 2 : index
    %get3A_35 = arith.constant 0 : index
    %get3A_36 = arith.constant 0 : index
    %get3A_37 = vector.load %arg4[%get3A_34, %get3A_35, %get3A_36] : memref<3x128x128xf32, #tpu.memory_space<vmem>>, vector<1x128x128xf32>
    %get3A_38 = vector.shape_cast %get3A_37 : vector<1x128x128xf32> to vector<128x128xf32>
    %dot_general3A_39 = arith.constant dense<0.000000e+00> : vector<128x128xf32>
    %dot_general3A_40 = tpu.matmul %get3A_33, %get3A_38, %dot_general3A_39 {dimension_numbers = #tpu.dot_dimension_numbers<[1], [0], [0], [1], [0, 0, 1, 1], [], []>, precision = #tpu.contract_precision<fp32>, transpose_lhs_hint = false} : vector<128x128xf32>, vector<128x128xf32>, vector<128x128xf32> -> vector<128x128xf32>
    %add3A_41 = arith.addf %add3A_27, %dot_general3A_40 : vector<128x128xf32>
    %get3A_42 = arith.constant 0 : index
    %get3A_43 = arith.constant 0 : index
    %get3A_44 = arith.constant 0 : index
    %get3A_45 = vector.load %arg3[%get3A_42, %get3A_43, %get3A_44] : memref<3x128x128xf32, #tpu.memory_space<vmem>>, vector<1x128x128xf32>
    %get3A_46 = vector.shape_cast %get3A_45 : vector<1x128x128xf32> to vector<128x128xf32>
    %dot_general3A_47 = arith.constant dense<0.000000e+00> : vector<128x128xf32>
    %dot_general3A_48 = tpu.matmul %get3A_46, %add3A_41, %dot_general3A_47 {dimension_numbers = #tpu.dot_dimension_numbers<[1], [0], [0], [1], [0, 0, 1, 1], [], []>, precision = #tpu.contract_precision<fp32>, transpose_lhs_hint = false} : vector<128x128xf32>, vector<128x128xf32>, vector<128x128xf32> -> vector<128x128xf32>
    %add3A_49 = arith.addf %broadcast_in_dim3A_0, %dot_general3A_48 : vector<128x128xf32>
    %broadcast_in_dim3A_50 = arith.constant 0.000000e+00 : f32
    %broadcast_in_dim3A_51 = vector.broadcast %broadcast_in_dim3A_50 : f32 to vector<128x128xf32>
    %get3A_52 = arith.constant 0 : index
    %get3A_53 = arith.constant 3 : index
    %get3A_54 = arith.constant 0 : index
    %get3A_55 = arith.constant 0 : index
    %get3A_56 = vector.load %arg1[%get3A_52, %get3A_53, %get3A_54, %get3A_55] : memref<1x9x128x128xf32, #tpu.memory_space<vmem>>, vector<1x1x128x128xf32>
    %get3A_57 = vector.shape_cast %get3A_56 : vector<1x1x128x128xf32> to vector<128x128xf32>
    %get3A_58 = arith.constant 0 : index
    %get3A_59 = arith.constant 0 : index
    %get3A_60 = arith.constant 0 : index
    %get3A_61 = vector.load %arg4[%get3A_58, %get3A_59, %get3A_60] : memref<3x128x128xf32, #tpu.memory_space<vmem>>, vector<1x128x128xf32>
    %get3A_62 = vector.shape_cast %get3A_61 : vector<1x128x128xf32> to vector<128x128xf32>
    %dot_general3A_63 = arith.constant dense<0.000000e+00> : vector<128x128xf32>
    %dot_general3A_64 = tpu.matmul %get3A_57, %get3A_62, %dot_general3A_63 {dimension_numbers = #tpu.dot_dimension_numbers<[1], [0], [0], [1], [0, 0, 1, 1], [], []>, precision = #tpu.contract_precision<fp32>, transpose_lhs_hint = false} : vector<128x128xf32>, vector<128x128xf32>, vector<128x128xf32> -> vector<128x128xf32>
    %add3A_65 = arith.addf %broadcast_in_dim3A_51, %dot_general3A_64 : vector<128x128xf32>
    %get3A_66 = arith.constant 0 : index
    %get3A_67 = arith.constant 4 : index
    %get3A_68 = arith.constant 0 : index
    %get3A_69 = arith.constant 0 : index
    %get3A_70 = vector.load %arg1[%get3A_66, %get3A_67, %get3A_68, %get3A_69] : memref<1x9x128x128xf32, #tpu.memory_space<vmem>>, vector<1x1x128x128xf32>
    %get3A_71 = vector.shape_cast %get3A_70 : vector<1x1x128x128xf32> to vector<128x128xf32>
    %get3A_72 = arith.constant 1 : index
    %get3A_73 = arith.constant 0 : index
    %get3A_74 = arith.constant 0 : index
    %get3A_75 = vector.load %arg4[%get3A_72, %get3A_73, %get3A_74] : memref<3x128x128xf32, #tpu.memory_space<vmem>>, vector<1x128x128xf32>
    %get3A_76 = vector.shape_cast %get3A_75 : vector<1x128x128xf32> to vector<128x128xf32>
    %dot_general3A_77 = arith.constant dense<0.000000e+00> : vector<128x128xf32>
    %dot_general3A_78 = tpu.matmul %get3A_71, %get3A_76, %dot_general3A_77 {dimension_numbers = #tpu.dot_dimension_numbers<[1], [0], [0], [1], [0, 0, 1, 1], [], []>, precision = #tpu.contract_precision<fp32>, transpose_lhs_hint = false} : vector<128x128xf32>, vector<128x128xf32>, vector<128x128xf32> -> vector<128x128xf32>
    %add3A_79 = arith.addf %add3A_65, %dot_general3A_78 : vector<128x128xf32>
    %get3A_80 = arith.constant 0 : index
    %get3A_81 = arith.constant 5 : index
    %get3A_82 = arith.constant 0 : index
    %get3A_83 = arith.constant 0 : index
    %get3A_84 = vector.load %arg1[%get3A_80, %get3A_81, %get3A_82, %get3A_83] : memref<1x9x128x128xf32, #tpu.memory_space<vmem>>, vector<1x1x128x128xf32>
    %get3A_85 = vector.shape_cast %get3A_84 : vector<1x1x128x128xf32> to vector<128x128xf32>
    %get3A_86 = arith.constant 2 : index
    %get3A_87 = arith.constant 0 : index
    %get3A_88 = arith.constant 0 : index
    %get3A_89 = vector.load %arg4[%get3A_86, %get3A_87, %get3A_88] : memref<3x128x128xf32, #tpu.memory_space<vmem>>, vector<1x128x128xf32>
    %get3A_90 = vector.shape_cast %get3A_89 : vector<1x128x128xf32> to vector<128x128xf32>
    %dot_general3A_91 = arith.constant dense<0.000000e+00> : vector<128x128xf32>
    %dot_general3A_92 = tpu.matmul %get3A_85, %get3A_90, %dot_general3A_91 {dimension_numbers = #tpu.dot_dimension_numbers<[1], [0], [0], [1], [0, 0, 1, 1], [], []>, precision = #tpu.contract_precision<fp32>, transpose_lhs_hint = false} : vector<128x128xf32>, vector<128x128xf32>, vector<128x128xf32> -> vector<128x128xf32>
    %add3A_93 = arith.addf %add3A_79, %dot_general3A_92 : vector<128x128xf32>
    %get3A_94 = arith.constant 1 : index
    %get3A_95 = arith.constant 0 : index
    %get3A_96 = arith.constant 0 : index
    %get3A_97 = vector.load %arg3[%get3A_94, %get3A_95, %get3A_96] : memref<3x128x128xf32, #tpu.memory_space<vmem>>, vector<1x128x128xf32>
    %get3A_98 = vector.shape_cast %get3A_97 : vector<1x128x128xf32> to vector<128x128xf32>
    %dot_general3A_99 = arith.constant dense<0.000000e+00> : vector<128x128xf32>
    %dot_general3A_100 = tpu.matmul %get3A_98, %add3A_93, %dot_general3A_99 {dimension_numbers = #tpu.dot_dimension_numbers<[1], [0], [0], [1], [0, 0, 1, 1], [], []>, precision = #tpu.contract_precision<fp32>, transpose_lhs_hint = false} : vector<128x128xf32>, vector<128x128xf32>, vector<128x128xf32> -> vector<128x128xf32>
    %add3A_101 = arith.addf %add3A_49, %dot_general3A_100 : vector<128x128xf32>
    %broadcast_in_dim3A_102 = arith.constant 0.000000e+00 : f32
    %broadcast_in_dim3A_103 = vector.broadcast %broadcast_in_dim3A_102 : f32 to vector<128x128xf32>
    %get3A_104 = arith.constant 0 : index
    %get3A_105 = arith.constant 6 : index
    %get3A_106 = arith.constant 0 : index
    %get3A_107 = arith.constant 0 : index
    %get3A_108 = vector.load %arg1[%get3A_104, %get3A_105, %get3A_106, %get3A_107] : memref<1x9x128x128xf32, #tpu.memory_space<vmem>>, vector<1x1x128x128xf32>
    %get3A_109 = vector.shape_cast %get3A_108 : vector<1x1x128x128xf32> to vector<128x128xf32>
    %get3A_110 = arith.constant 0 : index
    %get3A_111 = arith.constant 0 : index
    %get3A_112 = arith.constant 0 : index
    %get3A_113 = vector.load %arg4[%get3A_110, %get3A_111, %get3A_112] : memref<3x128x128xf32, #tpu.memory_space<vmem>>, vector<1x128x128xf32>
    %get3A_114 = vector.shape_cast %get3A_113 : vector<1x128x128xf32> to vector<128x128xf32>
    %dot_general3A_115 = arith.constant dense<0.000000e+00> : vector<128x128xf32>
    %dot_general3A_116 = tpu.matmul %get3A_109, %get3A_114, %dot_general3A_115 {dimension_numbers = #tpu.dot_dimension_numbers<[1], [0], [0], [1], [0, 0, 1, 1], [], []>, precision = #tpu.contract_precision<fp32>, transpose_lhs_hint = false} : vector<128x128xf32>, vector<128x128xf32>, vector<128x128xf32> -> vector<128x128xf32>
    %add3A_117 = arith.addf %broadcast_in_dim3A_103, %dot_general3A_116 : vector<128x128xf32>
    %get3A_118 = arith.constant 0 : index
    %get3A_119 = arith.constant 7 : index
    %get3A_120 = arith.constant 0 : index
    %get3A_121 = arith.constant 0 : index
    %get3A_122 = vector.load %arg1[%get3A_118, %get3A_119, %get3A_120, %get3A_121] : memref<1x9x128x128xf32, #tpu.memory_space<vmem>>, vector<1x1x128x128xf32>
    %get3A_123 = vector.shape_cast %get3A_122 : vector<1x1x128x128xf32> to vector<128x128xf32>
    %get3A_124 = arith.constant 1 : index
    %get3A_125 = arith.constant 0 : index
    %get3A_126 = arith.constant 0 : index
    %get3A_127 = vector.load %arg4[%get3A_124, %get3A_125, %get3A_126] : memref<3x128x128xf32, #tpu.memory_space<vmem>>, vector<1x128x128xf32>
    %get3A_128 = vector.shape_cast %get3A_127 : vector<1x128x128xf32> to vector<128x128xf32>
    %dot_general3A_129 = arith.constant dense<0.000000e+00> : vector<128x128xf32>
    %dot_general3A_130 = tpu.matmul %get3A_123, %get3A_128, %dot_general3A_129 {dimension_numbers = #tpu.dot_dimension_numbers<[1], [0], [0], [1], [0, 0, 1, 1], [], []>, precision = #tpu.contract_precision<fp32>, transpose_lhs_hint = false} : vector<128x128xf32>, vector<128x128xf32>, vector<128x128xf32> -> vector<128x128xf32>
    %add3A_131 = arith.addf %add3A_117, %dot_general3A_130 : vector<128x128xf32>
    %get3A_132 = arith.constant 0 : index
    %get3A_133 = arith.constant 8 : index
    %get3A_134 = arith.constant 0 : index
    %get3A_135 = arith.constant 0 : index
    %get3A_136 = vector.load %arg1[%get3A_132, %get3A_133, %get3A_134, %get3A_135] : memref<1x9x128x128xf32, #tpu.memory_space<vmem>>, vector<1x1x128x128xf32>
    %get3A_137 = vector.shape_cast %get3A_136 : vector<1x1x128x128xf32> to vector<128x128xf32>
    %get3A_138 = arith.constant 2 : index
    %get3A_139 = arith.constant 0 : index
    %get3A_140 = arith.constant 0 : index
    %get3A_141 = vector.load %arg4[%get3A_138, %get3A_139, %get3A_140] : memref<3x128x128xf32, #tpu.memory_space<vmem>>, vector<1x128x128xf32>
    %get3A_142 = vector.shape_cast %get3A_141 : vector<1x128x128xf32> to vector<128x128xf32>
    %dot_general3A_143 = arith.constant dense<0.000000e+00> : vector<128x128xf32>
    %dot_general3A_144 = tpu.matmul %get3A_137, %get3A_142, %dot_general3A_143 {dimension_numbers = #tpu.dot_dimension_numbers<[1], [0], [0], [1], [0, 0, 1, 1], [], []>, precision = #tpu.contract_precision<fp32>, transpose_lhs_hint = false} : vector<128x128xf32>, vector<128x128xf32>, vector<128x128xf32> -> vector<128x128xf32>
    %add3A_145 = arith.addf %add3A_131, %dot_general3A_144 : vector<128x128xf32>
    %get3A_146 = arith.constant 2 : index
    %get3A_147 = arith.constant 0 : index
    %get3A_148 = arith.constant 0 : index
    %get3A_149 = vector.load %arg3[%get3A_146, %get3A_147, %get3A_148] : memref<3x128x128xf32, #tpu.memory_space<vmem>>, vector<1x128x128xf32>
    %get3A_150 = vector.shape_cast %get3A_149 : vector<1x128x128xf32> to vector<128x128xf32>
    %dot_general3A_151 = arith.constant dense<0.000000e+00> : vector<128x128xf32>
    %dot_general3A_152 = tpu.matmul %get3A_150, %add3A_145, %dot_general3A_151 {dimension_numbers = #tpu.dot_dimension_numbers<[1], [0], [0], [1], [0, 0, 1, 1], [], []>, precision = #tpu.contract_precision<fp32>, transpose_lhs_hint = false} : vector<128x128xf32>, vector<128x128xf32>, vector<128x128xf32> -> vector<128x128xf32>
    %add3A_153 = arith.addf %add3A_101, %dot_general3A_152 : vector<128x128xf32>
    %reduce_sum3A = arith.constant dense<0.000000e+00> : vector<128xf32>
    %reduce_sum3A_154 = vector.multi_reduction <add>, %add3A_153, %reduce_sum3A [1] : vector<128x128xf32> to vector<128xf32>
    %broadcast_in_dim3A_155 = vector.shape_cast %reduce_sum3A_154 : vector<128xf32> to vector<128x1xf32>
    %reduce_sum3A_156 = arith.constant dense<0.000000e+00> : vector<1xf32>
    %reduce_sum3A_157 = vector.multi_reduction <add>, %broadcast_in_dim3A_155, %reduce_sum3A_156 [0] : vector<128x1xf32> to vector<1xf32>
    %broadcast_in_dim3A_158 = vector.shape_cast %reduce_sum3A_157 : vector<1xf32> to vector<1x1xf32>
    %div3A = arith.constant 1.638400e+04 : f32
    %div3A_159 = vector.broadcast %div3A : f32 to vector<1x1xf32>
    %div3A_160 = arith.divf %broadcast_in_dim3A_158, %div3A_159 : vector<1x1xf32>
    %sub3A = vector.broadcast %div3A_160 : vector<1x1xf32> to vector<128x128xf32>
    %sub3A_161 = arith.subf %add3A_153, %sub3A : vector<128x128xf32>
    %mul3A = arith.mulf %sub3A_161, %sub3A_161 : vector<128x128xf32>
    %reduce_sum3A_162 = arith.constant dense<0.000000e+00> : vector<128xf32>
    %reduce_sum3A_163 = vector.multi_reduction <add>, %mul3A, %reduce_sum3A_162 [1] : vector<128x128xf32> to vector<128xf32>
    %broadcast_in_dim3A_164 = vector.shape_cast %reduce_sum3A_163 : vector<128xf32> to vector<128x1xf32>
    %reduce_sum3A_165 = arith.constant dense<0.000000e+00> : vector<1xf32>
    %reduce_sum3A_166 = vector.multi_reduction <add>, %broadcast_in_dim3A_164, %reduce_sum3A_165 [0] : vector<128x1xf32> to vector<1xf32>
    %broadcast_in_dim3A_167 = vector.shape_cast %reduce_sum3A_166 : vector<1xf32> to vector<1x1xf32>
    %div3A_168 = arith.constant 1.638400e+04 : f32
    %div3A_169 = vector.broadcast %div3A_168 : f32 to vector<1x1xf32>
    %div3A_170 = arith.divf %broadcast_in_dim3A_167, %div3A_169 : vector<1x1xf32>
    %add3A_171 = arith.constant 9.99999974E-6 : f32
    %add3A_172 = vector.broadcast %add3A_171 : f32 to vector<1x1xf32>
    %add3A_173 = arith.addf %div3A_170, %add3A_172 : vector<1x1xf32>
    %sqrt3A = math.sqrt %add3A_173 : vector<1x1xf32>
    %div3A_174 = vector.broadcast %sqrt3A : vector<1x1xf32> to vector<128x128xf32>
    %div3A_175 = arith.divf %sub3A_161, %div3A_174 : vector<128x128xf32>
    %abs3A = math.absf %div3A_175 : vector<128x128xf32>
    %get3A_176 = arith.constant 0 : index
    %get3A_177 = arith.constant 0 : index
    %get3A_178 = arith.constant 0 : index
    %get3A_179 = vector.load %arg2[%get3A_176, %get3A_177, %get3A_178] : memref<1x128x128xf32, #tpu.memory_space<vmem>>, vector<1x128x128xf32>
    %get3A_180 = vector.shape_cast %get3A_179 : vector<1x128x128xf32> to vector<128x128xf32>
    %add3A_181 = arith.addf %abs3A, %get3A_180 : vector<128x128xf32>
    %mul3A_182 = arith.constant 5.000000e-01 : f32
    %mul3A_183 = vector.broadcast %mul3A_182 : f32 to vector<128x128xf32>
    %mul3A_184 = arith.mulf %add3A_181, %mul3A_183 : vector<128x128xf32>
    %iota3A = tpu.iota {dimensions = array<i32: 0>} : vector<128x128xi32>
    %iota3A_185 = tpu.iota {dimensions = array<i32: 1>} : vector<128x128xi32>
    %mul3A_186 = arith.constant 128 : i32
    %mul3A_187 = vector.broadcast %mul3A_186 : i32 to vector<128x128xi32>
    %mul3A_188 = arith.muli %iota3A, %mul3A_187 : vector<128x128xi32>
    %add3A_189 = arith.addi %mul3A_188, %iota3A_185 : vector<128x128xi32>
    %convert_element_type3A = arith.sitofp %add3A_189 : vector<128x128xi32> to vector<128x128xf32>
    %iota3A_190 = tpu.iota {dimensions = array<i32: 1>} : vector<1x64xi32>
    %convert_element_type3A_191 = arith.sitofp %iota3A_190 : vector<1x64xi32> to vector<1x64xf32>
    %broadcast_in_dim3A_192 = arith.constant 0.000000e+00 : f32
    %broadcast_in_dim3A_193 = vector.broadcast %broadcast_in_dim3A_192 : f32 to vector<1x64xf32>
    %scan3A = arith.constant 0 : i32
    %scan3A_194 = arith.constant 64 : i32
    %scan3A_195 = arith.addi %scan3A, %scan3A_194 : i32
    %scan3A_196 = arith.constant 1 : i32
    %scan3A_197:4 = scf.for %scan3A_222 = %scan3A to %scan3A_195 step %scan3A_196 iter_args(%scan3A_223 = %mul3A_184, %scan3A_224 = %broadcast_in_dim3A_193, %scan3A_225 = %broadcast_in_dim3A_193, %scan3A_226 = %broadcast_in_dim3A_193) -> (vector<128x128xf32>, vector<1x64xf32>, vector<1x64xf32>, vector<1x64xf32>)  : i32 {
      %reduce_max3A = arith.constant dense<0xFF800000> : vector<128xf32>
      %reduce_max3A_227 = vector.multi_reduction <maximumf>, %scan3A_223, %reduce_max3A [1] : vector<128x128xf32> to vector<128xf32>
      %broadcast_in_dim3A_228 = vector.shape_cast %reduce_max3A_227 : vector<128xf32> to vector<128x1xf32>
      %reduce_max3A_229 = arith.constant dense<0xFF800000> : vector<1xf32>
      %reduce_max3A_230 = vector.multi_reduction <maximumf>, %broadcast_in_dim3A_228, %reduce_max3A_229 [0] : vector<128x1xf32> to vector<1xf32>
      %broadcast_in_dim3A_231 = vector.shape_cast %reduce_max3A_230 : vector<1xf32> to vector<1x1xf32>
      %eq3A = vector.broadcast %broadcast_in_dim3A_231 : vector<1x1xf32> to vector<128x128xf32>
      %eq3A_232 = arith.cmpf oeq, %scan3A_223, %eq3A : vector<128x128xf32>
      %jit3A = arith.constant 1.000000e+09 : f32
      %broadcast_in_dim3A_233 = vector.broadcast %jit3A : f32 to vector<128x128xf32>
      %select_n3A = arith.select %eq3A_232, %convert_element_type3A, %broadcast_in_dim3A_233 : vector<128x128xi1>, vector<128x128xf32>
      %reduce_min3A = arith.constant dense<0x7F800000> : vector<128xf32>
      %reduce_min3A_234 = vector.multi_reduction <minimumf>, %select_n3A, %reduce_min3A [1] : vector<128x128xf32> to vector<128xf32>
      %broadcast_in_dim3A_235 = vector.shape_cast %reduce_min3A_234 : vector<128xf32> to vector<128x1xf32>
      %reduce_min3A_236 = arith.constant dense<0x7F800000> : vector<1xf32>
      %reduce_min3A_237 = vector.multi_reduction <minimumf>, %broadcast_in_dim3A_235, %reduce_min3A_236 [0] : vector<128x1xf32> to vector<1xf32>
      %broadcast_in_dim3A_238 = vector.shape_cast %reduce_min3A_237 : vector<1xf32> to vector<1x1xf32>
      %eq3A_239 = vector.broadcast %broadcast_in_dim3A_238 : vector<1x1xf32> to vector<128x128xf32>
      %eq3A_240 = arith.cmpf oeq, %convert_element_type3A, %eq3A_239 : vector<128x128xf32>
      %jit3A_241 = arith.constant 0.000000e+00 : f32
      %broadcast_in_dim3A_242 = vector.broadcast %jit3A_241 : f32 to vector<128x128xf32>
      %select_n3A_243 = arith.select %eq3A_240, %div3A_175, %broadcast_in_dim3A_242 : vector<128x128xi1>, vector<128x128xf32>
      %reduce_sum3A_244 = arith.constant dense<0.000000e+00> : vector<128xf32>
      %reduce_sum3A_245 = vector.multi_reduction <add>, %select_n3A_243, %reduce_sum3A_244 [1] : vector<128x128xf32> to vector<128xf32>
      %broadcast_in_dim3A_246 = vector.shape_cast %reduce_sum3A_245 : vector<128xf32> to vector<128x1xf32>
      %reduce_sum3A_247 = arith.constant dense<0.000000e+00> : vector<1xf32>
      %reduce_sum3A_248 = vector.multi_reduction <add>, %broadcast_in_dim3A_246, %reduce_sum3A_247 [0] : vector<128x1xf32> to vector<1xf32>
      %broadcast_in_dim3A_249 = vector.shape_cast %reduce_sum3A_248 : vector<1xf32> to vector<1x1xf32>
      %convert_element_type3A_250 = arith.sitofp %scan3A_222 : i32 to f32
      %eq3A_251 = vector.broadcast %convert_element_type3A_250 : f32 to vector<1x64xf32>
      %eq3A_252 = arith.cmpf oeq, %convert_element_type3A_191, %eq3A_251 : vector<1x64xf32>
      %broadcast_in_dim3A_253 = vector.shape_cast %broadcast_in_dim3A_238 : vector<1x1xf32> to vector<1x1xf32>
      %broadcast_in_dim3A_254 = vector.broadcast %broadcast_in_dim3A_253 : vector<1x1xf32> to vector<1x64xf32>
      %select_n3A_255 = arith.select %eq3A_252, %broadcast_in_dim3A_254, %scan3A_224 : vector<1x64xi1>, vector<1x64xf32>
      %broadcast_in_dim3A_256 = vector.shape_cast %broadcast_in_dim3A_231 : vector<1x1xf32> to vector<1x1xf32>
      %broadcast_in_dim3A_257 = vector.broadcast %broadcast_in_dim3A_256 : vector<1x1xf32> to vector<1x64xf32>
      %select_n3A_258 = arith.select %eq3A_252, %broadcast_in_dim3A_257, %scan3A_225 : vector<1x64xi1>, vector<1x64xf32>
      %broadcast_in_dim3A_259 = vector.shape_cast %broadcast_in_dim3A_249 : vector<1x1xf32> to vector<1x1xf32>
      %broadcast_in_dim3A_260 = vector.broadcast %broadcast_in_dim3A_259 : vector<1x1xf32> to vector<1x64xf32>
      %select_n3A_261 = arith.select %eq3A_252, %broadcast_in_dim3A_260, %scan3A_226 : vector<1x64xi1>, vector<1x64xf32>
      %jit3A_262 = arith.constant -3.000000e+38 : f32
      %broadcast_in_dim3A_263 = vector.broadcast %jit3A_262 : f32 to vector<128x128xf32>
      %select_n3A_264 = arith.select %eq3A_240, %broadcast_in_dim3A_263, %scan3A_223 : vector<128x128xi1>, vector<128x128xf32>
      scf.yield %select_n3A_264, %select_n3A_255, %select_n3A_258, %select_n3A_261 : vector<128x128xf32>, vector<1x64xf32>, vector<1x64xf32>, vector<1x64xf32>
    }
    %scan3A_198 = arith.constant 64 : i32
    %convert_element_type3A_199 = arith.sitofp %arg0 : i32 to f32
    %mul3A_200 = arith.constant 1.638400e+04 : f32
    %mul3A_201 = arith.mulf %convert_element_type3A_199, %mul3A_200 : f32
    %add3A_202 = vector.broadcast %mul3A_201 : f32 to vector<1x64xf32>
    %add3A_203 = arith.addf %scan3A_197#1, %add3A_202 : vector<1x64xf32>
    %convert_element_type3A_204 = arith.fptosi %add3A_203 : vector<1x64xf32> to vector<1x64xi32>
    %swap3A = arith.constant 0 : index
    %swap3A_205 = arith.constant 0 : index
    %swap3A_206 = arith.constant 0 : index
    %swap3A_207 = vector.load %arg5[%swap3A, %swap3A_205, %swap3A_206] : memref<1x1x64xi32, #tpu.memory_space<vmem>>, vector<1x1x64xi32>
    %swap3A_208 = vector.shape_cast %swap3A_207 : vector<1x1x64xi32> to vector<1x64xi32>
    %swap3A_209 = vector.shape_cast %convert_element_type3A_204 : vector<1x64xi32> to vector<1x1x64xi32>
    tpu.vector_store %arg5[%swap3A, %swap3A_205, %swap3A_206], %swap3A_209 {strides = array<i32>} : memref<1x1x64xi32, #tpu.memory_space<vmem>>, vector<1x1x64xi32>,
    %swap3A_210 = arith.constant 0 : index
    %swap3A_211 = arith.constant 0 : index
    %swap3A_212 = arith.constant 0 : index
    %swap3A_213 = vector.load %arg6[%swap3A_210, %swap3A_211, %swap3A_212] : memref<1x1x64xf32, #tpu.memory_space<vmem>>, vector<1x1x64xf32>
    %swap3A_214 = vector.shape_cast %swap3A_213 : vector<1x1x64xf32> to vector<1x64xf32>
    %swap3A_215 = vector.shape_cast %scan3A_197#2 : vector<1x64xf32> to vector<1x1x64xf32>
    tpu.vector_store %arg6[%swap3A_210, %swap3A_211, %swap3A_212], %swap3A_215 {strides = array<i32>} : memref<1x1x64xf32, #tpu.memory_space<vmem>>, vector<1x1x64xf32>,
    %swap3A_216 = arith.constant 0 : index
    %swap3A_217 = arith.constant 0 : index
    %swap3A_218 = arith.constant 0 : index
    %swap3A_219 = vector.load %arg7[%swap3A_216, %swap3A_217, %swap3A_218] : memref<1x1x64xf32, #tpu.memory_space<vmem>>, vector<1x1x64xf32>
    %swap3A_220 = vector.shape_cast %swap3A_219 : vector<1x1x64xf32> to vector<1x64xf32>
    %swap3A_221 = vector.shape_cast %scan3A_197#3 : vector<1x64xf32> to vector<1x1x64xf32>
    tpu.vector_store %arg7[%swap3A_216, %swap3A_217, %swap3A_218], %swap3A_221 {strides = array<i32>} : memref<1x1x64xf32, #tpu.memory_space<vmem>>, vector<1x1x64xf32>,
    return
  }
  func.func @transform_0(%arg0: i32) -> (i32, i32, i32, i32) {
    %c0_i32 = arith.constant 0 : i32
    %c0_i32_0 = arith.constant 0 : i32
    %c0_i32_1 = arith.constant 0 : i32
    %c0_i32_2 = arith.constant 0 : i32
    return %arg0, %c0_i32, %c0_i32_0, %c0_i32_1 : i32, i32, i32, i32
  }
  func.func @transform_1(%arg0: i32) -> (i32, i32, i32) {
    %c0_i32 = arith.constant 0 : i32
    %c0_i32_0 = arith.constant 0 : i32
    %c0_i32_1 = arith.constant 0 : i32
    return %arg0, %c0_i32, %c0_i32_0 : i32, i32, i32
  }
  func.func @transform_2(%arg0: i32) -> (i32, i32, i32) {
    %c0_i32 = arith.constant 0 : i32
    %c0_i32_0 = arith.constant 0 : i32
    %c0_i32_1 = arith.constant 0 : i32
    %c0_i32_2 = arith.constant 0 : i32
    return %c0_i32, %c0_i32_0, %c0_i32_1 : i32, i32, i32
  }
  func.func @transform_3(%arg0: i32) -> (i32, i32, i32) {
    %c0_i32 = arith.constant 0 : i32
    %c0_i32_0 = arith.constant 0 : i32
    %c0_i32_1 = arith.constant 0 : i32
    %c0_i32_2 = arith.constant 0 : i32
    return %c0_i32, %c0_i32_0, %c0_i32_1 : i32, i32, i32
  }
  func.func @transform_4(%arg0: i32) -> (i32, i32, i32) {
    %c0_i32 = arith.constant 0 : i32
    %c0_i32_0 = arith.constant 0 : i32
    %c0_i32_1 = arith.constant 0 : i32
    return %arg0, %c0_i32, %c0_i32_0 : i32, i32, i32
  }
  func.func @transform_5(%arg0: i32) -> (i32, i32, i32) {
    %c0_i32 = arith.constant 0 : i32
    %c0_i32_0 = arith.constant 0 : i32
    %c0_i32_1 = arith.constant 0 : i32
    return %arg0, %c0_i32, %c0_i32_0 : i32, i32, i32
  }
  func.func @transform_6(%arg0: i32) -> (i32, i32, i32) {
    %c0_i32 = arith.constant 0 : i32
    %c0_i32_0 = arith.constant 0 : i32
    %c0_i32_1 = arith.constant 0 : i32
    return %arg0, %c0_i32, %c0_i32_0 : i32, i32, i32
  }
}

module attributes {stable_mosaic.version = 14 : i64} {
  func.func @body(%arg0: i32, %arg1: memref<1x64x384xf32, #tpu.memory_space<vmem>>, %arg2: memref<1x1x64xf32, #tpu.memory_space<vmem>>, %arg3: memref<1x1x64xf32, #tpu.memory_space<vmem>>, %arg4: memref<1x1xf32, #tpu.memory_space<vmem>>, %arg5: memref<384x192xf32, #tpu.memory_space<vmem>>, %arg6: memref<1x192xf32, #tpu.memory_space<vmem>>, %arg7: memref<1x192xf32, #tpu.memory_space<vmem>>, %arg8: memref<1x192xf32, #tpu.memory_space<vmem>>, %arg9: memref<192x192xf32, #tpu.memory_space<vmem>>, %arg10: memref<192x384xf32, #tpu.memory_space<vmem>>, %arg11: memref<9x384xf32, #tpu.memory_space<vmem>>, %arg12: memref<1x384xf32, #tpu.memory_space<vmem>>, %arg13: memref<192x384xf32, #tpu.memory_space<vmem>>, %arg14: memref<384x384xf32, #tpu.memory_space<vmem>>, %arg15: memref<9x64x64xf32, #tpu.memory_space<vmem>>, %arg16: memref<512x192xf32, #tpu.memory_space<vmem>>, %arg17: memref<512x384xf32, #tpu.memory_space<vmem>>, %arg18: memref<64x64xf32, #tpu.memory_space<vmem>>, %arg19: memref<1x512x384xf32, #tpu.memory_space<vmem>>, %arg20: memref<1x512x384xf32, #tpu.memory_space<vmem>>, %arg21: memref<1x1x512xf32, #tpu.memory_space<vmem>>) attributes {dimension_semantics = [#tpu.dimension_semantics<arbitrary>], iteration_bounds = array<i64: 2>, scalar_prefetch = 0 : i64, scratch_operands = 0 : i64, tpu.core_type = #tpu.core_type<tc>, window_params = [{transform_indices = @transform_0, window_bounds = array<i64: 1, 64, 384>}, {transform_indices = @transform_1, window_bounds = array<i64: 1, 1, 64>}, {transform_indices = @transform_2, window_bounds = array<i64: 1, 1, 64>}, {pipeline_mode = #tpu.pipeline_mode<synchronous>, transform_indices = @transform_3, window_bounds = array<i64: 1, 1>}, {pipeline_mode = #tpu.pipeline_mode<synchronous>, transform_indices = @transform_4, window_bounds = array<i64: 384, 192>}, {pipeline_mode = #tpu.pipeline_mode<synchronous>, transform_indices = @transform_5, window_bounds = array<i64: 1, 192>}, {pipeline_mode = #tpu.pipeline_mode<synchronous>, transform_indices = @transform_6, window_bounds = array<i64: 1, 192>}, {pipeline_mode = #tpu.pipeline_mode<synchronous>, transform_indices = @transform_7, window_bounds = array<i64: 1, 192>}, {pipeline_mode = #tpu.pipeline_mode<synchronous>, transform_indices = @transform_8, window_bounds = array<i64: 192, 192>}, {pipeline_mode = #tpu.pipeline_mode<synchronous>, transform_indices = @transform_9, window_bounds = array<i64: 192, 384>}, {pipeline_mode = #tpu.pipeline_mode<synchronous>, transform_indices = @transform_10, window_bounds = array<i64: 9, 384>}, {pipeline_mode = #tpu.pipeline_mode<synchronous>, transform_indices = @transform_11, window_bounds = array<i64: 1, 384>}, {pipeline_mode = #tpu.pipeline_mode<synchronous>, transform_indices = @transform_12, window_bounds = array<i64: 192, 384>}, {pipeline_mode = #tpu.pipeline_mode<synchronous>, transform_indices = @transform_13, window_bounds = array<i64: 384, 384>}, {pipeline_mode = #tpu.pipeline_mode<synchronous>, transform_indices = @transform_14, window_bounds = array<i64: 9, 64, 64>}, {pipeline_mode = #tpu.pipeline_mode<synchronous>, transform_indices = @transform_15, window_bounds = array<i64: 512, 192>}, {pipeline_mode = #tpu.pipeline_mode<synchronous>, transform_indices = @transform_16, window_bounds = array<i64: 512, 384>}, {pipeline_mode = #tpu.pipeline_mode<synchronous>, transform_indices = @transform_17, window_bounds = array<i64: 64, 64>}, {transform_indices = @transform_18, window_bounds = array<i64: 1, 512, 384>}, {transform_indices = @transform_19, window_bounds = array<i64: 1, 512, 384>}, {transform_indices = @transform_20, window_bounds = array<i64: 1, 1, 512>}]} {
    %get3A = arith.constant 0 : index
    %get3A_0 = arith.constant 0 : index
    %get3A_1 = arith.constant 0 : index
    %get3A_2 = vector.load %arg1[%get3A, %get3A_0, %get3A_1] : memref<1x64x384xf32, #tpu.memory_space<vmem>>, vector<1x64x384xf32>
    %get3A_3 = vector.shape_cast %get3A_2 : vector<1x64x384xf32> to vector<64x384xf32>
    %get3A_4 = arith.constant 0 : index
    %get3A_5 = arith.constant 0 : index
    %get3A_6 = vector.load %arg5[%get3A_4, %get3A_5] : memref<384x192xf32, #tpu.memory_space<vmem>>, vector<384x192xf32>
    %dot_general3A = arith.constant dense<0.000000e+00> : vector<64x192xf32>
    %dot_general3A_7 = tpu.matmul %get3A_3, %get3A_6, %dot_general3A {dimension_numbers = #tpu.dot_dimension_numbers<[1], [0], [0], [1], [0, 0, 1, 1], [], []>, transpose_lhs_hint = false} : vector<64x384xf32>, vector<384x192xf32>, vector<64x192xf32> -> vector<64x192xf32>
    %get3A_8 = arith.constant 0 : index
    %get3A_9 = arith.constant 0 : index
    %get3A_10 = vector.load %arg6[%get3A_8, %get3A_9] : memref<1x192xf32, #tpu.memory_space<vmem>>, vector<1x192xf32>
    %add3A = vector.broadcast %get3A_10 : vector<1x192xf32> to vector<64x192xf32>
    %add3A_11 = arith.addf %dot_general3A_7, %add3A : vector<64x192xf32>
    %reduce_sum3A = arith.constant dense<0.000000e+00> : vector<64xf32>
    %reduce_sum3A_12 = vector.multi_reduction <add>, %add3A_11, %reduce_sum3A [1] : vector<64x192xf32> to vector<64xf32>
    %broadcast_in_dim3A = vector.shape_cast %reduce_sum3A_12 : vector<64xf32> to vector<64x1xf32>
    %div3A = arith.constant 1.920000e+02 : f32
    %div3A_13 = vector.broadcast %div3A : f32 to vector<64x1xf32>
    %div3A_14 = arith.divf %broadcast_in_dim3A, %div3A_13 : vector<64x1xf32>
    %sub3A = vector.broadcast %div3A_14 : vector<64x1xf32> to vector<64x192xf32>
    %sub3A_15 = arith.subf %add3A_11, %sub3A : vector<64x192xf32>
    %mul3A = arith.mulf %sub3A_15, %sub3A_15 : vector<64x192xf32>
    %reduce_sum3A_16 = arith.constant dense<0.000000e+00> : vector<64xf32>
    %reduce_sum3A_17 = vector.multi_reduction <add>, %mul3A, %reduce_sum3A_16 [1] : vector<64x192xf32> to vector<64xf32>
    %broadcast_in_dim3A_18 = vector.shape_cast %reduce_sum3A_17 : vector<64xf32> to vector<64x1xf32>
    %div3A_19 = arith.constant 1.920000e+02 : f32
    %div3A_20 = vector.broadcast %div3A_19 : f32 to vector<64x1xf32>
    %div3A_21 = arith.divf %broadcast_in_dim3A_18, %div3A_20 : vector<64x1xf32>
    %add3A_22 = arith.constant 9.99999974E-6 : f32
    %add3A_23 = vector.broadcast %add3A_22 : f32 to vector<64x1xf32>
    %add3A_24 = arith.addf %div3A_21, %add3A_23 : vector<64x1xf32>
    %sqrt3A = math.sqrt %add3A_24 : vector<64x1xf32>
    %div3A_25 = vector.broadcast %sqrt3A : vector<64x1xf32> to vector<64x192xf32>
    %div3A_26 = arith.divf %sub3A_15, %div3A_25 : vector<64x192xf32>
    %get3A_27 = arith.constant 0 : index
    %get3A_28 = arith.constant 0 : index
    %get3A_29 = vector.load %arg7[%get3A_27, %get3A_28] : memref<1x192xf32, #tpu.memory_space<vmem>>, vector<1x192xf32>
    %mul3A_30 = vector.broadcast %get3A_29 : vector<1x192xf32> to vector<64x192xf32>
    %mul3A_31 = arith.mulf %div3A_26, %mul3A_30 : vector<64x192xf32>
    %get3A_32 = arith.constant 0 : index
    %get3A_33 = arith.constant 0 : index
    %get3A_34 = vector.load %arg8[%get3A_32, %get3A_33] : memref<1x192xf32, #tpu.memory_space<vmem>>, vector<1x192xf32>
    %add3A_35 = vector.broadcast %get3A_34 : vector<1x192xf32> to vector<64x192xf32>
    %add3A_36 = arith.addf %mul3A_31, %add3A_35 : vector<64x192xf32>
    %mul3A_37 = arith.constant 5.000000e-01 : f32
    %mul3A_38 = vector.broadcast %mul3A_37 : f32 to vector<64x192xf32>
    %mul3A_39 = arith.mulf %mul3A_38, %add3A_36 : vector<64x192xf32>
    %mul3A_40 = arith.constant 0.707106769 : f32
    %mul3A_41 = vector.broadcast %mul3A_40 : f32 to vector<64x192xf32>
    %mul3A_42 = arith.mulf %add3A_36, %mul3A_41 : vector<64x192xf32>
    %sign3A = tpu.bitcast %mul3A_42 : vector<64x192xf32> -> vector<64x192xi32>
    %sign3A_43 = arith.constant -2147483648 : i32
    %sign3A_44 = vector.broadcast %sign3A_43 : i32 to vector<64x192xi32>
    %sign3A_45 = arith.andi %sign3A, %sign3A_44 : vector<64x192xi32>
    %sign3A_46 = arith.constant 1065353216 : i32
    %sign3A_47 = vector.broadcast %sign3A_46 : i32 to vector<64x192xi32>
    %sign3A_48 = arith.ori %sign3A_47, %sign3A_45 : vector<64x192xi32>
    %sign3A_49 = tpu.bitcast %sign3A_48 : vector<64x192xi32> -> vector<64x192xf32>
    %sign3A_50 = math.absf %mul3A_42 : vector<64x192xf32>
    %sign3A_51 = arith.constant 0.000000e+00 : f32
    %sign3A_52 = vector.broadcast %sign3A_51 : f32 to vector<64x192xf32>
    %sign3A_53 = arith.cmpf ogt, %sign3A_50, %sign3A_52 : vector<64x192xf32>
    %sign3A_54 = arith.select %sign3A_53, %sign3A_49, %mul3A_42 : vector<64x192xi1>, vector<64x192xf32>
    %abs3A = math.absf %mul3A_42 : vector<64x192xf32>
    %mul3A_55 = arith.constant 0.327591091 : f32
    %mul3A_56 = vector.broadcast %mul3A_55 : f32 to vector<64x192xf32>
    %mul3A_57 = arith.mulf %mul3A_56, %abs3A : vector<64x192xf32>
    %add3A_58 = arith.constant 1.000000e+00 : f32
    %add3A_59 = vector.broadcast %add3A_58 : f32 to vector<64x192xf32>
    %add3A_60 = arith.addf %add3A_59, %mul3A_57 : vector<64x192xf32>
    %div3A_61 = arith.constant 1.000000e+00 : f32
    %div3A_62 = vector.broadcast %div3A_61 : f32 to vector<64x192xf32>
    %div3A_63 = arith.divf %div3A_62, %add3A_60 : vector<64x192xf32>
    %mul3A_64 = arith.constant 1.06140542 : f32
    %mul3A_65 = vector.broadcast %mul3A_64 : f32 to vector<64x192xf32>
    %mul3A_66 = arith.mulf %div3A_63, %mul3A_65 : vector<64x192xf32>
    %add3A_67 = arith.constant -1.45315206 : f32
    %add3A_68 = vector.broadcast %add3A_67 : f32 to vector<64x192xf32>
    %add3A_69 = arith.addf %add3A_68, %mul3A_66 : vector<64x192xf32>
    %mul3A_70 = arith.mulf %div3A_63, %add3A_69 : vector<64x192xf32>
    %add3A_71 = arith.constant 1.42141378 : f32
    %add3A_72 = vector.broadcast %add3A_71 : f32 to vector<64x192xf32>
    %add3A_73 = arith.addf %add3A_72, %mul3A_70 : vector<64x192xf32>
    %mul3A_74 = arith.mulf %div3A_63, %add3A_73 : vector<64x192xf32>
    %add3A_75 = arith.constant -0.284496725 : f32
    %add3A_76 = vector.broadcast %add3A_75 : f32 to vector<64x192xf32>
    %add3A_77 = arith.addf %add3A_76, %mul3A_74 : vector<64x192xf32>
    %mul3A_78 = arith.mulf %div3A_63, %add3A_77 : vector<64x192xf32>
    %add3A_79 = arith.constant 0.254829586 : f32
    %add3A_80 = vector.broadcast %add3A_79 : f32 to vector<64x192xf32>
    %add3A_81 = arith.addf %add3A_80, %mul3A_78 : vector<64x192xf32>
    %mul3A_82 = arith.mulf %div3A_63, %add3A_81 : vector<64x192xf32>
    %neg3A = arith.constant 0.000000e+00 : f32
    %neg3A_83 = vector.broadcast %neg3A : f32 to vector<64x192xf32>
    %neg3A_84 = arith.subf %neg3A_83, %abs3A : vector<64x192xf32>
    %mul3A_85 = arith.mulf %neg3A_84, %abs3A : vector<64x192xf32>
    %exp3A = math.exp %mul3A_85 : vector<64x192xf32>
    %mul3A_86 = arith.mulf %mul3A_82, %exp3A : vector<64x192xf32>
    %sub3A_87 = arith.constant 1.000000e+00 : f32
    %sub3A_88 = vector.broadcast %sub3A_87 : f32 to vector<64x192xf32>
    %sub3A_89 = arith.subf %sub3A_88, %mul3A_86 : vector<64x192xf32>
    %mul3A_90 = arith.mulf %sign3A_54, %sub3A_89 : vector<64x192xf32>
    %add3A_91 = arith.constant 1.000000e+00 : f32
    %add3A_92 = vector.broadcast %add3A_91 : f32 to vector<64x192xf32>
    %add3A_93 = arith.addf %add3A_92, %mul3A_90 : vector<64x192xf32>
    %mul3A_94 = arith.mulf %mul3A_39, %add3A_93 : vector<64x192xf32>
    %get3A_95 = arith.constant 0 : index
    %get3A_96 = arith.constant 0 : index
    %get3A_97 = vector.load %arg9[%get3A_95, %get3A_96] : memref<192x192xf32, #tpu.memory_space<vmem>>, vector<192x192xf32>
    %dot_general3A_98 = arith.constant dense<0.000000e+00> : vector<64x192xf32>
    %dot_general3A_99 = tpu.matmul %mul3A_94, %get3A_97, %dot_general3A_98 {dimension_numbers = #tpu.dot_dimension_numbers<[1], [0], [0], [1], [0, 0, 1, 1], [], []>, transpose_lhs_hint = false} : vector<64x192xf32>, vector<192x192xf32>, vector<64x192xf32> -> vector<64x192xf32>
    %get3A_100 = arith.constant 0 : index
    %get3A_101 = arith.constant 0 : index
    %get3A_102 = vector.load %arg10[%get3A_100, %get3A_101] : memref<192x384xf32, #tpu.memory_space<vmem>>, vector<192x384xf32>
    %dot_general3A_103 = arith.constant dense<0.000000e+00> : vector<64x384xf32>
    %dot_general3A_104 = tpu.matmul %mul3A_94, %get3A_102, %dot_general3A_103 {dimension_numbers = #tpu.dot_dimension_numbers<[1], [0], [0], [1], [0, 0, 1, 1], [], []>, transpose_lhs_hint = false} : vector<64x192xf32>, vector<192x384xf32>, vector<64x384xf32> -> vector<64x384xf32>
    %get3A_105 = arith.constant 0 : index
    %get3A_106 = arith.constant 0 : index
    %get3A_107 = arith.constant 0 : index
    %get3A_108 = vector.load %arg2[%get3A_105, %get3A_106, %get3A_107] : memref<1x1x64xf32, #tpu.memory_space<vmem>>, vector<1x1x64xf32>
    %get3A_109 = vector.shape_cast %get3A_108 : vector<1x1x64xf32> to vector<1x64xf32>
    %get3A_110 = arith.constant 0 : index
    %get3A_111 = arith.constant 0 : index
    %get3A_112 = vector.load %arg18[%get3A_110, %get3A_111] : memref<64x64xf32, #tpu.memory_space<vmem>>, vector<64x64xf32>
    %mul3A_113 = vector.broadcast %get3A_109 : vector<1x64xf32> to vector<64x64xf32>
    %mul3A_114 = arith.mulf %get3A_112, %mul3A_113 : vector<64x64xf32>
    %reduce_sum3A_115 = arith.constant dense<0.000000e+00> : vector<64xf32>
    %reduce_sum3A_116 = vector.multi_reduction <add>, %mul3A_114, %reduce_sum3A_115 [1] : vector<64x64xf32> to vector<64xf32>
    %broadcast_in_dim3A_117 = vector.shape_cast %reduce_sum3A_116 : vector<64xf32> to vector<64x1xf32>
    %mul3A_118 = vector.broadcast %broadcast_in_dim3A_117 : vector<64x1xf32> to vector<64x384xf32>
    %mul3A_119 = arith.mulf %dot_general3A_104, %mul3A_118 : vector<64x384xf32>
    %get3A_120 = arith.constant 0 : index
    %get3A_121 = arith.constant 0 : index
    %get3A_122 = vector.load %arg11[%get3A_120, %get3A_121] : memref<9x384xf32, #tpu.memory_space<vmem>>, vector<9x384xf32>
    %broadcast_in_dim3A_123 = arith.constant 0.000000e+00 : f32
    %broadcast_in_dim3A_124 = vector.broadcast %broadcast_in_dim3A_123 : f32 to vector<64x384xf32>
    %get3A_125 = arith.constant 0 : index
    %get3A_126 = arith.constant 0 : index
    %get3A_127 = arith.constant 0 : index
    %get3A_128 = vector.load %arg15[%get3A_125, %get3A_126, %get3A_127] : memref<9x64x64xf32, #tpu.memory_space<vmem>>, vector<1x64x64xf32>
    %get3A_129 = vector.shape_cast %get3A_128 : vector<1x64x64xf32> to vector<64x64xf32>
    %dot_general3A_130 = arith.constant dense<0.000000e+00> : vector<64x384xf32>
    %dot_general3A_131 = tpu.matmul %get3A_129, %mul3A_119, %dot_general3A_130 {dimension_numbers = #tpu.dot_dimension_numbers<[1], [0], [0], [1], [0, 0, 1, 1], [], []>, transpose_lhs_hint = false} : vector<64x64xf32>, vector<64x384xf32>, vector<64x384xf32> -> vector<64x384xf32>
    %slice3A = vector.extract_strided_slice %get3A_122 {offsets = [0, 0], sizes = [1, 384], strides = [1, 1]} : vector<9x384xf32> to vector<1x384xf32>
    %mul3A_132 = vector.broadcast %slice3A : vector<1x384xf32> to vector<64x384xf32>
    %mul3A_133 = arith.mulf %dot_general3A_131, %mul3A_132 : vector<64x384xf32>
    %add3A_134 = arith.addf %broadcast_in_dim3A_124, %mul3A_133 : vector<64x384xf32>
    %get3A_135 = arith.constant 1 : index
    %get3A_136 = arith.constant 0 : index
    %get3A_137 = arith.constant 0 : index
    %get3A_138 = vector.load %arg15[%get3A_135, %get3A_136, %get3A_137] : memref<9x64x64xf32, #tpu.memory_space<vmem>>, vector<1x64x64xf32>
    %get3A_139 = vector.shape_cast %get3A_138 : vector<1x64x64xf32> to vector<64x64xf32>
    %dot_general3A_140 = arith.constant dense<0.000000e+00> : vector<64x384xf32>
    %dot_general3A_141 = tpu.matmul %get3A_139, %mul3A_119, %dot_general3A_140 {dimension_numbers = #tpu.dot_dimension_numbers<[1], [0], [0], [1], [0, 0, 1, 1], [], []>, transpose_lhs_hint = false} : vector<64x64xf32>, vector<64x384xf32>, vector<64x384xf32> -> vector<64x384xf32>
    %slice3A_142 = vector.extract_strided_slice %get3A_122 {offsets = [1, 0], sizes = [1, 384], strides = [1, 1]} : vector<9x384xf32> to vector<1x384xf32>
    %mul3A_143 = vector.broadcast %slice3A_142 : vector<1x384xf32> to vector<64x384xf32>
    %mul3A_144 = arith.mulf %dot_general3A_141, %mul3A_143 : vector<64x384xf32>
    %add3A_145 = arith.addf %add3A_134, %mul3A_144 : vector<64x384xf32>
    %get3A_146 = arith.constant 2 : index
    %get3A_147 = arith.constant 0 : index
    %get3A_148 = arith.constant 0 : index
    %get3A_149 = vector.load %arg15[%get3A_146, %get3A_147, %get3A_148] : memref<9x64x64xf32, #tpu.memory_space<vmem>>, vector<1x64x64xf32>
    %get3A_150 = vector.shape_cast %get3A_149 : vector<1x64x64xf32> to vector<64x64xf32>
    %dot_general3A_151 = arith.constant dense<0.000000e+00> : vector<64x384xf32>
    %dot_general3A_152 = tpu.matmul %get3A_150, %mul3A_119, %dot_general3A_151 {dimension_numbers = #tpu.dot_dimension_numbers<[1], [0], [0], [1], [0, 0, 1, 1], [], []>, transpose_lhs_hint = false} : vector<64x64xf32>, vector<64x384xf32>, vector<64x384xf32> -> vector<64x384xf32>
    %slice3A_153 = vector.extract_strided_slice %get3A_122 {offsets = [2, 0], sizes = [1, 384], strides = [1, 1]} : vector<9x384xf32> to vector<1x384xf32>
    %mul3A_154 = vector.broadcast %slice3A_153 : vector<1x384xf32> to vector<64x384xf32>
    %mul3A_155 = arith.mulf %dot_general3A_152, %mul3A_154 : vector<64x384xf32>
    %add3A_156 = arith.addf %add3A_145, %mul3A_155 : vector<64x384xf32>
    %get3A_157 = arith.constant 3 : index
    %get3A_158 = arith.constant 0 : index
    %get3A_159 = arith.constant 0 : index
    %get3A_160 = vector.load %arg15[%get3A_157, %get3A_158, %get3A_159] : memref<9x64x64xf32, #tpu.memory_space<vmem>>, vector<1x64x64xf32>
    %get3A_161 = vector.shape_cast %get3A_160 : vector<1x64x64xf32> to vector<64x64xf32>
    %dot_general3A_162 = arith.constant dense<0.000000e+00> : vector<64x384xf32>
    %dot_general3A_163 = tpu.matmul %get3A_161, %mul3A_119, %dot_general3A_162 {dimension_numbers = #tpu.dot_dimension_numbers<[1], [0], [0], [1], [0, 0, 1, 1], [], []>, transpose_lhs_hint = false} : vector<64x64xf32>, vector<64x384xf32>, vector<64x384xf32> -> vector<64x384xf32>
    %slice3A_164 = vector.extract_strided_slice %get3A_122 {offsets = [3, 0], sizes = [1, 384], strides = [1, 1]} : vector<9x384xf32> to vector<1x384xf32>
    %mul3A_165 = vector.broadcast %slice3A_164 : vector<1x384xf32> to vector<64x384xf32>
    %mul3A_166 = arith.mulf %dot_general3A_163, %mul3A_165 : vector<64x384xf32>
    %add3A_167 = arith.addf %add3A_156, %mul3A_166 : vector<64x384xf32>
    %get3A_168 = arith.constant 4 : index
    %get3A_169 = arith.constant 0 : index
    %get3A_170 = arith.constant 0 : index
    %get3A_171 = vector.load %arg15[%get3A_168, %get3A_169, %get3A_170] : memref<9x64x64xf32, #tpu.memory_space<vmem>>, vector<1x64x64xf32>
    %get3A_172 = vector.shape_cast %get3A_171 : vector<1x64x64xf32> to vector<64x64xf32>
    %dot_general3A_173 = arith.constant dense<0.000000e+00> : vector<64x384xf32>
    %dot_general3A_174 = tpu.matmul %get3A_172, %mul3A_119, %dot_general3A_173 {dimension_numbers = #tpu.dot_dimension_numbers<[1], [0], [0], [1], [0, 0, 1, 1], [], []>, transpose_lhs_hint = false} : vector<64x64xf32>, vector<64x384xf32>, vector<64x384xf32> -> vector<64x384xf32>
    %slice3A_175 = vector.extract_strided_slice %get3A_122 {offsets = [4, 0], sizes = [1, 384], strides = [1, 1]} : vector<9x384xf32> to vector<1x384xf32>
    %mul3A_176 = vector.broadcast %slice3A_175 : vector<1x384xf32> to vector<64x384xf32>
    %mul3A_177 = arith.mulf %dot_general3A_174, %mul3A_176 : vector<64x384xf32>
    %add3A_178 = arith.addf %add3A_167, %mul3A_177 : vector<64x384xf32>
    %get3A_179 = arith.constant 5 : index
    %get3A_180 = arith.constant 0 : index
    %get3A_181 = arith.constant 0 : index
    %get3A_182 = vector.load %arg15[%get3A_179, %get3A_180, %get3A_181] : memref<9x64x64xf32, #tpu.memory_space<vmem>>, vector<1x64x64xf32>
    %get3A_183 = vector.shape_cast %get3A_182 : vector<1x64x64xf32> to vector<64x64xf32>
    %dot_general3A_184 = arith.constant dense<0.000000e+00> : vector<64x384xf32>
    %dot_general3A_185 = tpu.matmul %get3A_183, %mul3A_119, %dot_general3A_184 {dimension_numbers = #tpu.dot_dimension_numbers<[1], [0], [0], [1], [0, 0, 1, 1], [], []>, transpose_lhs_hint = false} : vector<64x64xf32>, vector<64x384xf32>, vector<64x384xf32> -> vector<64x384xf32>
    %slice3A_186 = vector.extract_strided_slice %get3A_122 {offsets = [5, 0], sizes = [1, 384], strides = [1, 1]} : vector<9x384xf32> to vector<1x384xf32>
    %mul3A_187 = vector.broadcast %slice3A_186 : vector<1x384xf32> to vector<64x384xf32>
    %mul3A_188 = arith.mulf %dot_general3A_185, %mul3A_187 : vector<64x384xf32>
    %add3A_189 = arith.addf %add3A_178, %mul3A_188 : vector<64x384xf32>
    %get3A_190 = arith.constant 6 : index
    %get3A_191 = arith.constant 0 : index
    %get3A_192 = arith.constant 0 : index
    %get3A_193 = vector.load %arg15[%get3A_190, %get3A_191, %get3A_192] : memref<9x64x64xf32, #tpu.memory_space<vmem>>, vector<1x64x64xf32>
    %get3A_194 = vector.shape_cast %get3A_193 : vector<1x64x64xf32> to vector<64x64xf32>
    %dot_general3A_195 = arith.constant dense<0.000000e+00> : vector<64x384xf32>
    %dot_general3A_196 = tpu.matmul %get3A_194, %mul3A_119, %dot_general3A_195 {dimension_numbers = #tpu.dot_dimension_numbers<[1], [0], [0], [1], [0, 0, 1, 1], [], []>, transpose_lhs_hint = false} : vector<64x64xf32>, vector<64x384xf32>, vector<64x384xf32> -> vector<64x384xf32>
    %slice3A_197 = vector.extract_strided_slice %get3A_122 {offsets = [6, 0], sizes = [1, 384], strides = [1, 1]} : vector<9x384xf32> to vector<1x384xf32>
    %mul3A_198 = vector.broadcast %slice3A_197 : vector<1x384xf32> to vector<64x384xf32>
    %mul3A_199 = arith.mulf %dot_general3A_196, %mul3A_198 : vector<64x384xf32>
    %add3A_200 = arith.addf %add3A_189, %mul3A_199 : vector<64x384xf32>
    %get3A_201 = arith.constant 7 : index
    %get3A_202 = arith.constant 0 : index
    %get3A_203 = arith.constant 0 : index
    %get3A_204 = vector.load %arg15[%get3A_201, %get3A_202, %get3A_203] : memref<9x64x64xf32, #tpu.memory_space<vmem>>, vector<1x64x64xf32>
    %get3A_205 = vector.shape_cast %get3A_204 : vector<1x64x64xf32> to vector<64x64xf32>
    %dot_general3A_206 = arith.constant dense<0.000000e+00> : vector<64x384xf32>
    %dot_general3A_207 = tpu.matmul %get3A_205, %mul3A_119, %dot_general3A_206 {dimension_numbers = #tpu.dot_dimension_numbers<[1], [0], [0], [1], [0, 0, 1, 1], [], []>, transpose_lhs_hint = false} : vector<64x64xf32>, vector<64x384xf32>, vector<64x384xf32> -> vector<64x384xf32>
    %slice3A_208 = vector.extract_strided_slice %get3A_122 {offsets = [7, 0], sizes = [1, 384], strides = [1, 1]} : vector<9x384xf32> to vector<1x384xf32>
    %mul3A_209 = vector.broadcast %slice3A_208 : vector<1x384xf32> to vector<64x384xf32>
    %mul3A_210 = arith.mulf %dot_general3A_207, %mul3A_209 : vector<64x384xf32>
    %add3A_211 = arith.addf %add3A_200, %mul3A_210 : vector<64x384xf32>
    %get3A_212 = arith.constant 8 : index
    %get3A_213 = arith.constant 0 : index
    %get3A_214 = arith.constant 0 : index
    %get3A_215 = vector.load %arg15[%get3A_212, %get3A_213, %get3A_214] : memref<9x64x64xf32, #tpu.memory_space<vmem>>, vector<1x64x64xf32>
    %get3A_216 = vector.shape_cast %get3A_215 : vector<1x64x64xf32> to vector<64x64xf32>
    %dot_general3A_217 = arith.constant dense<0.000000e+00> : vector<64x384xf32>
    %dot_general3A_218 = tpu.matmul %get3A_216, %mul3A_119, %dot_general3A_217 {dimension_numbers = #tpu.dot_dimension_numbers<[1], [0], [0], [1], [0, 0, 1, 1], [], []>, transpose_lhs_hint = false} : vector<64x64xf32>, vector<64x384xf32>, vector<64x384xf32> -> vector<64x384xf32>
    %slice3A_219 = vector.extract_strided_slice %get3A_122 {offsets = [8, 0], sizes = [1, 384], strides = [1, 1]} : vector<9x384xf32> to vector<1x384xf32>
    %mul3A_220 = vector.broadcast %slice3A_219 : vector<1x384xf32> to vector<64x384xf32>
    %mul3A_221 = arith.mulf %dot_general3A_218, %mul3A_220 : vector<64x384xf32>
    %add3A_222 = arith.addf %add3A_211, %mul3A_221 : vector<64x384xf32>
    %add3A_223 = arith.addf %mul3A_119, %add3A_222 : vector<64x384xf32>
    %get3A_224 = arith.constant 0 : index
    %get3A_225 = arith.constant 0 : index
    %get3A_226 = vector.load %arg12[%get3A_224, %get3A_225] : memref<1x384xf32, #tpu.memory_space<vmem>>, vector<1x384xf32>
    %add3A_227 = vector.broadcast %get3A_226 : vector<1x384xf32> to vector<64x384xf32>
    %add3A_228 = arith.addf %add3A_223, %add3A_227 : vector<64x384xf32>
    %concatenate3A = tpu.concatenate %dot_general3A_99, %dot_general3A_99, %dot_general3A_99, %dot_general3A_99, %dot_general3A_99, %dot_general3A_99, %dot_general3A_99, %dot_general3A_99 in 0 : vector<64x192xf32>, vector<64x192xf32>, vector<64x192xf32>, vector<64x192xf32>, vector<64x192xf32>, vector<64x192xf32>, vector<64x192xf32>, vector<64x192xf32> -> vector<512x192xf32>
    %get3A_229 = arith.constant 0 : index
    %get3A_230 = arith.constant 0 : index
    %get3A_231 = vector.load %arg16[%get3A_229, %get3A_230] : memref<512x192xf32, #tpu.memory_space<vmem>>, vector<512x192xf32>
    %mul3A_232 = arith.mulf %concatenate3A, %get3A_231 : vector<512x192xf32>
    %get3A_233 = arith.constant 0 : index
    %get3A_234 = arith.constant 0 : index
    %get3A_235 = vector.load %arg13[%get3A_233, %get3A_234] : memref<192x384xf32, #tpu.memory_space<vmem>>, vector<192x384xf32>
    %dot_general3A_236 = arith.constant dense<0.000000e+00> : vector<512x384xf32>
    %dot_general3A_237 = tpu.matmul %mul3A_232, %get3A_235, %dot_general3A_236 {dimension_numbers = #tpu.dot_dimension_numbers<[1], [0], [0], [1], [0, 0, 1, 1], [], []>, transpose_lhs_hint = false} : vector<512x192xf32>, vector<192x384xf32>, vector<512x384xf32> -> vector<512x384xf32>
    %mul3A_238 = arith.constant 0.204124153 : f32
    %mul3A_239 = vector.broadcast %mul3A_238 : f32 to vector<512x384xf32>
    %mul3A_240 = arith.mulf %dot_general3A_237, %mul3A_239 : vector<512x384xf32>
    %swap3A = arith.constant 0 : index
    %swap3A_241 = arith.constant 0 : index
    %swap3A_242 = arith.constant 0 : index
    %swap3A_243 = vector.load %arg19[%swap3A, %swap3A_241, %swap3A_242] : memref<1x512x384xf32, #tpu.memory_space<vmem>>, vector<1x512x384xf32>
    %swap3A_244 = vector.shape_cast %swap3A_243 : vector<1x512x384xf32> to vector<512x384xf32>
    %swap3A_245 = vector.shape_cast %mul3A_240 : vector<512x384xf32> to vector<1x512x384xf32>
    tpu.vector_store %arg19[%swap3A, %swap3A_241, %swap3A_242], %swap3A_245 {strides = array<i32>} : memref<1x512x384xf32, #tpu.memory_space<vmem>>, vector<1x512x384xf32>,
    %concatenate3A_246 = tpu.concatenate %add3A_228, %add3A_228, %add3A_228, %add3A_228, %add3A_228, %add3A_228, %add3A_228, %add3A_228 in 0 : vector<64x384xf32>, vector<64x384xf32>, vector<64x384xf32>, vector<64x384xf32>, vector<64x384xf32>, vector<64x384xf32>, vector<64x384xf32>, vector<64x384xf32> -> vector<512x384xf32>
    %get3A_247 = arith.constant 0 : index
    %get3A_248 = arith.constant 0 : index
    %get3A_249 = vector.load %arg17[%get3A_247, %get3A_248] : memref<512x384xf32, #tpu.memory_space<vmem>>, vector<512x384xf32>
    %mul3A_250 = arith.mulf %concatenate3A_246, %get3A_249 : vector<512x384xf32>
    %get3A_251 = arith.constant 0 : index
    %get3A_252 = arith.constant 0 : index
    %get3A_253 = vector.load %arg14[%get3A_251, %get3A_252] : memref<384x384xf32, #tpu.memory_space<vmem>>, vector<384x384xf32>
    %dot_general3A_254 = arith.constant dense<0.000000e+00> : vector<512x384xf32>
    %dot_general3A_255 = tpu.matmul %mul3A_250, %get3A_253, %dot_general3A_254 {dimension_numbers = #tpu.dot_dimension_numbers<[1], [0], [0], [1], [0, 0, 1, 1], [], []>, transpose_lhs_hint = false} : vector<512x384xf32>, vector<384x384xf32>, vector<512x384xf32> -> vector<512x384xf32>
    %swap3A_256 = arith.constant 0 : index
    %swap3A_257 = arith.constant 0 : index
    %swap3A_258 = arith.constant 0 : index
    %swap3A_259 = vector.load %arg20[%swap3A_256, %swap3A_257, %swap3A_258] : memref<1x512x384xf32, #tpu.memory_space<vmem>>, vector<1x512x384xf32>
    %swap3A_260 = vector.shape_cast %swap3A_259 : vector<1x512x384xf32> to vector<512x384xf32>
    %swap3A_261 = vector.shape_cast %dot_general3A_255 : vector<512x384xf32> to vector<1x512x384xf32>
    tpu.vector_store %arg20[%swap3A_256, %swap3A_257, %swap3A_258], %swap3A_261 {strides = array<i32>} : memref<1x512x384xf32, #tpu.memory_space<vmem>>, vector<1x512x384xf32>,
    %get3A_262 = arith.constant 0 : index
    %get3A_263 = arith.constant 0 : index
    %get3A_264 = arith.constant 0 : index
    %get3A_265 = vector.load %arg3[%get3A_262, %get3A_263, %get3A_264] : memref<1x1x64xf32, #tpu.memory_space<vmem>>, vector<1x1x64xf32>
    %get3A_266 = vector.shape_cast %get3A_265 : vector<1x1x64xf32> to vector<1x64xf32>
    %concatenate3A_267 = tpu.concatenate %get3A_266, %get3A_266, %get3A_266, %get3A_266, %get3A_266, %get3A_266, %get3A_266, %get3A_266 in 1 : vector<1x64xf32>, vector<1x64xf32>, vector<1x64xf32>, vector<1x64xf32>, vector<1x64xf32>, vector<1x64xf32>, vector<1x64xf32>, vector<1x64xf32> -> vector<1x512xf32>
    %get3A_268 = arith.constant 0 : index
    %get3A_269 = arith.constant 0 : index
    %get3A_270 = vector.load %arg4[%get3A_268, %get3A_269] : memref<1x1xf32, #tpu.memory_space<vmem>>, vector<1x1xf32>
    %get3A_271 = vector.extract %get3A_270[0, 0] : f32 from vector<1x1xf32>
    %mul3A_272 = vector.broadcast %get3A_271 : f32 to vector<1x512xf32>
    %mul3A_273 = arith.mulf %concatenate3A_267, %mul3A_272 : vector<1x512xf32>
    %swap3A_274 = arith.constant 0 : index
    %swap3A_275 = arith.constant 0 : index
    %swap3A_276 = arith.constant 0 : index
    %swap3A_277 = vector.load %arg21[%swap3A_274, %swap3A_275, %swap3A_276] : memref<1x1x512xf32, #tpu.memory_space<vmem>>, vector<1x1x512xf32>
    %swap3A_278 = vector.shape_cast %swap3A_277 : vector<1x1x512xf32> to vector<1x512xf32>
    %swap3A_279 = vector.shape_cast %mul3A_273 : vector<1x512xf32> to vector<1x1x512xf32>
    tpu.vector_store %arg21[%swap3A_274, %swap3A_275, %swap3A_276], %swap3A_279 {strides = array<i32>} : memref<1x1x512xf32, #tpu.memory_space<vmem>>, vector<1x1x512xf32>,
    return
  }
  func.func @transform_0(%arg0: i32) -> (i32, i32, i32) {
    %c0_i32 = arith.constant 0 : i32
    %c0_i32_0 = arith.constant 0 : i32
    %c0_i32_1 = arith.constant 0 : i32
    return %arg0, %c0_i32, %c0_i32_0 : i32, i32, i32
  }
  func.func @transform_1(%arg0: i32) -> (i32, i32, i32) {
    %c0_i32 = arith.constant 0 : i32
    %c0_i32_0 = arith.constant 0 : i32
    %c0_i32_1 = arith.constant 0 : i32
    return %arg0, %c0_i32, %c0_i32_0 : i32, i32, i32
  }
  func.func @transform_2(%arg0: i32) -> (i32, i32, i32) {
    %c0_i32 = arith.constant 0 : i32
    %c0_i32_0 = arith.constant 0 : i32
    %c0_i32_1 = arith.constant 0 : i32
    return %arg0, %c0_i32, %c0_i32_0 : i32, i32, i32
  }
  func.func @transform_3(%arg0: i32) -> (i32, i32) {
    %c0_i32 = arith.constant 0 : i32
    %c0_i32_0 = arith.constant 0 : i32
    %c0_i32_1 = arith.constant 0 : i32
    return %c0_i32, %c0_i32_0 : i32, i32
  }
  func.func @transform_4(%arg0: i32) -> (i32, i32) {
    %c0_i32 = arith.constant 0 : i32
    %c0_i32_0 = arith.constant 0 : i32
    %c0_i32_1 = arith.constant 0 : i32
    return %c0_i32, %c0_i32_0 : i32, i32
  }
  func.func @transform_5(%arg0: i32) -> (i32, i32) {
    %c0_i32 = arith.constant 0 : i32
    %c0_i32_0 = arith.constant 0 : i32
    %c0_i32_1 = arith.constant 0 : i32
    return %c0_i32, %c0_i32_0 : i32, i32
  }
  func.func @transform_6(%arg0: i32) -> (i32, i32) {
    %c0_i32 = arith.constant 0 : i32
    %c0_i32_0 = arith.constant 0 : i32
    %c0_i32_1 = arith.constant 0 : i32
    return %c0_i32, %c0_i32_0 : i32, i32
  }
  func.func @transform_7(%arg0: i32) -> (i32, i32) {
    %c0_i32 = arith.constant 0 : i32
    %c0_i32_0 = arith.constant 0 : i32
    %c0_i32_1 = arith.constant 0 : i32
    return %c0_i32, %c0_i32_0 : i32, i32
  }
  func.func @transform_8(%arg0: i32) -> (i32, i32) {
    %c0_i32 = arith.constant 0 : i32
    %c0_i32_0 = arith.constant 0 : i32
    %c0_i32_1 = arith.constant 0 : i32
    return %c0_i32, %c0_i32_0 : i32, i32
  }
  func.func @transform_9(%arg0: i32) -> (i32, i32) {
    %c0_i32 = arith.constant 0 : i32
    %c0_i32_0 = arith.constant 0 : i32
    %c0_i32_1 = arith.constant 0 : i32
    return %c0_i32, %c0_i32_0 : i32, i32
  }
  func.func @transform_10(%arg0: i32) -> (i32, i32) {
    %c0_i32 = arith.constant 0 : i32
    %c0_i32_0 = arith.constant 0 : i32
    %c0_i32_1 = arith.constant 0 : i32
    return %c0_i32, %c0_i32_0 : i32, i32
  }
  func.func @transform_11(%arg0: i32) -> (i32, i32) {
    %c0_i32 = arith.constant 0 : i32
    %c0_i32_0 = arith.constant 0 : i32
    %c0_i32_1 = arith.constant 0 : i32
    return %c0_i32, %c0_i32_0 : i32, i32
  }
  func.func @transform_12(%arg0: i32) -> (i32, i32) {
    %c0_i32 = arith.constant 0 : i32
    %c0_i32_0 = arith.constant 0 : i32
    %c0_i32_1 = arith.constant 0 : i32
    return %c0_i32, %c0_i32_0 : i32, i32
  }
  func.func @transform_13(%arg0: i32) -> (i32, i32) {
    %c0_i32 = arith.constant 0 : i32
    %c0_i32_0 = arith.constant 0 : i32
    %c0_i32_1 = arith.constant 0 : i32
    return %c0_i32, %c0_i32_0 : i32, i32
  }
  func.func @transform_14(%arg0: i32) -> (i32, i32, i32) {
    %c0_i32 = arith.constant 0 : i32
    %c0_i32_0 = arith.constant 0 : i32
    %c0_i32_1 = arith.constant 0 : i32
    %c0_i32_2 = arith.constant 0 : i32
    return %c0_i32, %c0_i32_0, %c0_i32_1 : i32, i32, i32
  }
  func.func @transform_15(%arg0: i32) -> (i32, i32) {
    %c0_i32 = arith.constant 0 : i32
    %c0_i32_0 = arith.constant 0 : i32
    %c0_i32_1 = arith.constant 0 : i32
    return %c0_i32, %c0_i32_0 : i32, i32
  }
  func.func @transform_16(%arg0: i32) -> (i32, i32) {
    %c0_i32 = arith.constant 0 : i32
    %c0_i32_0 = arith.constant 0 : i32
    %c0_i32_1 = arith.constant 0 : i32
    return %c0_i32, %c0_i32_0 : i32, i32
  }
  func.func @transform_17(%arg0: i32) -> (i32, i32) {
    %c0_i32 = arith.constant 0 : i32
    %c0_i32_0 = arith.constant 0 : i32
    %c0_i32_1 = arith.constant 0 : i32
    return %c0_i32, %c0_i32_0 : i32, i32
  }
  func.func @transform_18(%arg0: i32) -> (i32, i32, i32) {
    %c0_i32 = arith.constant 0 : i32
    %c0_i32_0 = arith.constant 0 : i32
    %c0_i32_1 = arith.constant 0 : i32
    return %arg0, %c0_i32, %c0_i32_0 : i32, i32, i32
  }
  func.func @transform_19(%arg0: i32) -> (i32, i32, i32) {
    %c0_i32 = arith.constant 0 : i32
    %c0_i32_0 = arith.constant 0 : i32
    %c0_i32_1 = arith.constant 0 : i32
    return %arg0, %c0_i32, %c0_i32_0 : i32, i32, i32
  }
  func.func @transform_20(%arg0: i32) -> (i32, i32, i32) {
    %c0_i32 = arith.constant 0 : i32
    %c0_i32_0 = arith.constant 0 : i32
    %c0_i32_1 = arith.constant 0 : i32
    return %arg0, %c0_i32, %c0_i32_0 : i32, i32, i32
  }
}

module attributes {stable_mosaic.version = 14 : i64} {
  func.func @body(%arg0: i32, %arg1: i32, %arg2: memref<1x1024x384xf32, #tpu.memory_space<vmem>>, %arg3: memref<1x384x512xf32, #tpu.memory_space<vmem>>, %arg4: memref<1x512x384xf32, #tpu.memory_space<vmem>>, %arg5: memref<1x1x512xf32, #tpu.memory_space<vmem>>, %arg6: memref<512x8xf32, #tpu.memory_space<vmem>>, %arg7: memref<8x512xf32, #tpu.memory_space<vmem>>, %arg8: memref<1x384xf32, #tpu.memory_space<vmem>>, %arg9: memref<1x1xf32, #tpu.memory_space<vmem>>, %arg10: memref<1x1024x384xf32, #tpu.memory_space<vmem>>) attributes {dimension_semantics = [#tpu.dimension_semantics<arbitrary>, #tpu.dimension_semantics<arbitrary>], iteration_bounds = array<i64: 2, 16>, scalar_prefetch = 0 : i64, scratch_operands = 0 : i64, tpu.core_type = #tpu.core_type<tc>, window_params = [{transform_indices = @transform_0, window_bounds = array<i64: 1, 1024, 384>}, {transform_indices = @transform_1, window_bounds = array<i64: 1, 384, 512>}, {transform_indices = @transform_2, window_bounds = array<i64: 1, 512, 384>}, {transform_indices = @transform_3, window_bounds = array<i64: 1, 1, 512>}, {pipeline_mode = #tpu.pipeline_mode<synchronous>, transform_indices = @transform_4, window_bounds = array<i64: 512, 8>}, {pipeline_mode = #tpu.pipeline_mode<synchronous>, transform_indices = @transform_5, window_bounds = array<i64: 8, 512>}, {pipeline_mode = #tpu.pipeline_mode<synchronous>, transform_indices = @transform_6, window_bounds = array<i64: 1, 384>}, {pipeline_mode = #tpu.pipeline_mode<synchronous>, transform_indices = @transform_7, window_bounds = array<i64: 1, 1>}, {transform_indices = @transform_8, window_bounds = array<i64: 1, 1024, 384>}]} {
    %get3A = arith.constant 0 : index
    %get3A_0 = arith.constant 0 : index
    %get3A_1 = arith.constant 0 : index
    %get3A_2 = vector.load %arg2[%get3A, %get3A_0, %get3A_1] : memref<1x1024x384xf32, #tpu.memory_space<vmem>>, vector<1x1024x384xf32>
    %get3A_3 = vector.shape_cast %get3A_2 : vector<1x1024x384xf32> to vector<1024x384xf32>
    %get3A_4 = arith.constant 0 : index
    %get3A_5 = arith.constant 0 : index
    %get3A_6 = arith.constant 0 : index
    %get3A_7 = vector.load %arg3[%get3A_4, %get3A_5, %get3A_6] : memref<1x384x512xf32, #tpu.memory_space<vmem>>, vector<1x384x512xf32>
    %get3A_8 = vector.shape_cast %get3A_7 : vector<1x384x512xf32> to vector<384x512xf32>
    %dot_general3A = arith.constant dense<0.000000e+00> : vector<1024x512xf32>
    %dot_general3A_9 = tpu.matmul %get3A_3, %get3A_8, %dot_general3A {dimension_numbers = #tpu.dot_dimension_numbers<[1], [0], [0], [1], [0, 0, 1, 1], [], []>, transpose_lhs_hint = false} : vector<1024x384xf32>, vector<384x512xf32>, vector<1024x512xf32> -> vector<1024x512xf32>
    %get3A_10 = arith.constant 0 : index
    %get3A_11 = arith.constant 0 : index
    %get3A_12 = arith.constant 0 : index
    %get3A_13 = vector.load %arg5[%get3A_10, %get3A_11, %get3A_12] : memref<1x1x512xf32, #tpu.memory_space<vmem>>, vector<1x1x512xf32>
    %get3A_14 = vector.shape_cast %get3A_13 : vector<1x1x512xf32> to vector<1x512xf32>
    %get3A_15 = arith.constant 0 : index
    %get3A_16 = arith.constant 0 : index
    %get3A_17 = vector.load %arg9[%get3A_15, %get3A_16] : memref<1x1xf32, #tpu.memory_space<vmem>>, vector<1x1xf32>
    %get3A_18 = vector.extract %get3A_17[0, 0] : f32 from vector<1x1xf32>
    %get3A_19 = arith.constant 0 : index
    %get3A_20 = arith.constant 0 : index
    %get3A_21 = vector.load %arg6[%get3A_19, %get3A_20] : memref<512x8xf32, #tpu.memory_space<vmem>>, vector<512x8xf32>
    %get3A_22 = arith.constant 0 : index
    %get3A_23 = arith.constant 0 : index
    %get3A_24 = vector.load %arg7[%get3A_22, %get3A_23] : memref<8x512xf32, #tpu.memory_space<vmem>>, vector<8x512xf32>
    %reduce_max3A = arith.constant dense<0xFF800000> : vector<1024xf32>
    %reduce_max3A_25 = vector.multi_reduction <maximumf>, %dot_general3A_9, %reduce_max3A [1] : vector<1024x512xf32> to vector<1024xf32>
    %broadcast_in_dim3A = vector.shape_cast %reduce_max3A_25 : vector<1024xf32> to vector<1024x1xf32>
    %sub3A = vector.broadcast %broadcast_in_dim3A : vector<1024x1xf32> to vector<1024x512xf32>
    %sub3A_26 = arith.subf %dot_general3A_9, %sub3A : vector<1024x512xf32>
    %exp3A = math.exp %sub3A_26 : vector<1024x512xf32>
    %dot_general3A_27 = arith.constant dense<0.000000e+00> : vector<1024x8xf32>
    %dot_general3A_28 = tpu.matmul %exp3A, %get3A_21, %dot_general3A_27 {dimension_numbers = #tpu.dot_dimension_numbers<[1], [0], [0], [1], [0, 0, 1, 1], [], []>, transpose_lhs_hint = false} : vector<1024x512xf32>, vector<512x8xf32>, vector<1024x8xf32> -> vector<1024x8xf32>
    %div3A = arith.constant 1.000000e+00 : f32
    %div3A_29 = vector.broadcast %div3A : f32 to vector<1024x8xf32>
    %div3A_30 = arith.divf %div3A_29, %dot_general3A_28 : vector<1024x8xf32>
    %dot_general3A_31 = arith.constant dense<0.000000e+00> : vector<1024x512xf32>
    %dot_general3A_32 = tpu.matmul %div3A_30, %get3A_24, %dot_general3A_31 {dimension_numbers = #tpu.dot_dimension_numbers<[1], [0], [0], [1], [0, 0, 1, 1], [], []>, transpose_lhs_hint = false} : vector<1024x8xf32>, vector<8x512xf32>, vector<1024x512xf32> -> vector<1024x512xf32>
    %mul3A = arith.mulf %exp3A, %dot_general3A_32 : vector<1024x512xf32>
    %add3A = arith.constant 1.000000e+00 : f32
    %add3A_33 = vector.broadcast %add3A : f32 to vector<1x512xf32>
    %add3A_34 = arith.addf %add3A_33, %get3A_14 : vector<1x512xf32>
    %mul3A_35 = vector.broadcast %add3A_34 : vector<1x512xf32> to vector<1024x512xf32>
    %mul3A_36 = arith.mulf %dot_general3A_9, %mul3A_35 : vector<1024x512xf32>
    %reduce_max3A_37 = arith.constant dense<0xFF800000> : vector<1024xf32>
    %reduce_max3A_38 = vector.multi_reduction <maximumf>, %mul3A_36, %reduce_max3A_37 [1] : vector<1024x512xf32> to vector<1024xf32>
    %broadcast_in_dim3A_39 = vector.shape_cast %reduce_max3A_38 : vector<1024xf32> to vector<1024x1xf32>
    %sub3A_40 = vector.broadcast %broadcast_in_dim3A_39 : vector<1024x1xf32> to vector<1024x512xf32>
    %sub3A_41 = arith.subf %mul3A_36, %sub3A_40 : vector<1024x512xf32>
    %exp3A_42 = math.exp %sub3A_41 : vector<1024x512xf32>
    %dot_general3A_43 = arith.constant dense<0.000000e+00> : vector<1024x8xf32>
    %dot_general3A_44 = tpu.matmul %exp3A_42, %get3A_21, %dot_general3A_43 {dimension_numbers = #tpu.dot_dimension_numbers<[1], [0], [0], [1], [0, 0, 1, 1], [], []>, transpose_lhs_hint = false} : vector<1024x512xf32>, vector<512x8xf32>, vector<1024x8xf32> -> vector<1024x8xf32>
    %div3A_45 = arith.constant 1.000000e+00 : f32
    %div3A_46 = vector.broadcast %div3A_45 : f32 to vector<1024x8xf32>
    %div3A_47 = arith.divf %div3A_46, %dot_general3A_44 : vector<1024x8xf32>
    %dot_general3A_48 = arith.constant dense<0.000000e+00> : vector<1024x512xf32>
    %dot_general3A_49 = tpu.matmul %div3A_47, %get3A_24, %dot_general3A_48 {dimension_numbers = #tpu.dot_dimension_numbers<[1], [0], [0], [1], [0, 0, 1, 1], [], []>, transpose_lhs_hint = false} : vector<1024x8xf32>, vector<8x512xf32>, vector<1024x512xf32> -> vector<1024x512xf32>
    %mul3A_50 = arith.mulf %exp3A_42, %dot_general3A_49 : vector<1024x512xf32>
    %mul3A_51 = vector.broadcast %get3A_18 : f32 to vector<1024x512xf32>
    %mul3A_52 = arith.mulf %mul3A_51, %mul3A : vector<1024x512xf32>
    %sub3A_53 = arith.constant 1.000000e+00 : f32
    %sub3A_54 = arith.subf %sub3A_53, %get3A_18 : f32
    %mul3A_55 = vector.broadcast %sub3A_54 : f32 to vector<1024x512xf32>
    %mul3A_56 = arith.mulf %mul3A_55, %mul3A_50 : vector<1024x512xf32>
    %add3A_57 = arith.addf %mul3A_52, %mul3A_56 : vector<1024x512xf32>
    %get3A_58 = arith.constant 0 : index
    %get3A_59 = arith.constant 0 : index
    %get3A_60 = arith.constant 0 : index
    %get3A_61 = vector.load %arg4[%get3A_58, %get3A_59, %get3A_60] : memref<1x512x384xf32, #tpu.memory_space<vmem>>, vector<1x512x384xf32>
    %get3A_62 = vector.shape_cast %get3A_61 : vector<1x512x384xf32> to vector<512x384xf32>
    %dot_general3A_63 = arith.constant dense<0.000000e+00> : vector<1024x384xf32>
    %dot_general3A_64 = tpu.matmul %add3A_57, %get3A_62, %dot_general3A_63 {dimension_numbers = #tpu.dot_dimension_numbers<[1], [0], [0], [1], [0, 0, 1, 1], [], []>, transpose_lhs_hint = false} : vector<1024x512xf32>, vector<512x384xf32>, vector<1024x384xf32> -> vector<1024x384xf32>
    %get3A_65 = arith.constant 0 : index
    %get3A_66 = arith.constant 0 : index
    %get3A_67 = vector.load %arg8[%get3A_65, %get3A_66] : memref<1x384xf32, #tpu.memory_space<vmem>>, vector<1x384xf32>
    %add3A_68 = vector.broadcast %get3A_67 : vector<1x384xf32> to vector<1024x384xf32>
    %add3A_69 = arith.addf %dot_general3A_64, %add3A_68 : vector<1024x384xf32>
    %swap3A = arith.constant 0 : index
    %swap3A_70 = arith.constant 0 : index
    %swap3A_71 = arith.constant 0 : index
    %swap3A_72 = vector.load %arg10[%swap3A, %swap3A_70, %swap3A_71] : memref<1x1024x384xf32, #tpu.memory_space<vmem>>, vector<1x1024x384xf32>
    %swap3A_73 = vector.shape_cast %swap3A_72 : vector<1x1024x384xf32> to vector<1024x384xf32>
    %swap3A_74 = vector.shape_cast %add3A_69 : vector<1024x384xf32> to vector<1x1024x384xf32>
    tpu.vector_store %arg10[%swap3A, %swap3A_70, %swap3A_71], %swap3A_74 {strides = array<i32>} : memref<1x1024x384xf32, #tpu.memory_space<vmem>>, vector<1x1024x384xf32>,
    return
  }
  func.func @transform_0(%arg0: i32, %arg1: i32) -> (i32, i32, i32) {
    %c0_i32 = arith.constant 0 : i32
    %c0_i32_0 = arith.constant 0 : i32
    return %arg0, %arg1, %c0_i32 : i32, i32, i32
  }
  func.func @transform_1(%arg0: i32, %arg1: i32) -> (i32, i32, i32) {
    %c0_i32 = arith.constant 0 : i32
    %c0_i32_0 = arith.constant 0 : i32
    %c0_i32_1 = arith.constant 0 : i32
    return %arg0, %c0_i32, %c0_i32_0 : i32, i32, i32
  }
  func.func @transform_2(%arg0: i32, %arg1: i32) -> (i32, i32, i32) {
    %c0_i32 = arith.constant 0 : i32
    %c0_i32_0 = arith.constant 0 : i32
    %c0_i32_1 = arith.constant 0 : i32
    return %arg0, %c0_i32, %c0_i32_0 : i32, i32, i32
  }
  func.func @transform_3(%arg0: i32, %arg1: i32) -> (i32, i32, i32) {
    %c0_i32 = arith.constant 0 : i32
    %c0_i32_0 = arith.constant 0 : i32
    %c0_i32_1 = arith.constant 0 : i32
    return %arg0, %c0_i32, %c0_i32_0 : i32, i32, i32
  }
  func.func @transform_4(%arg0: i32, %arg1: i32) -> (i32, i32) {
    %c0_i32 = arith.constant 0 : i32
    %c0_i32_0 = arith.constant 0 : i32
    %c0_i32_1 = arith.constant 0 : i32
    return %c0_i32, %c0_i32_0 : i32, i32
  }
  func.func @transform_5(%arg0: i32, %arg1: i32) -> (i32, i32) {
    %c0_i32 = arith.constant 0 : i32
    %c0_i32_0 = arith.constant 0 : i32
    %c0_i32_1 = arith.constant 0 : i32
    return %c0_i32, %c0_i32_0 : i32, i32
  }
  func.func @transform_6(%arg0: i32, %arg1: i32) -> (i32, i32) {
    %c0_i32 = arith.constant 0 : i32
    %c0_i32_0 = arith.constant 0 : i32
    %c0_i32_1 = arith.constant 0 : i32
    return %c0_i32, %c0_i32_0 : i32, i32
  }
  func.func @transform_7(%arg0: i32, %arg1: i32) -> (i32, i32) {
    %c0_i32 = arith.constant 0 : i32
    %c0_i32_0 = arith.constant 0 : i32
    %c0_i32_1 = arith.constant 0 : i32
    return %c0_i32, %c0_i32_0 : i32, i32
  }
  func.func @transform_8(%arg0: i32, %arg1: i32) -> (i32, i32, i32) {
    %c0_i32 = arith.constant 0 : i32
    %c0_i32_0 = arith.constant 0 : i32
    return %arg0, %arg1, %c0_i32 : i32, i32, i32
  }
}

</mosaic_0001>

<sc_bundles>
// kernel: kernel.7.cloned.1.call-start
scs
__scs_entry_jumppad:
0x0: {  	(pc) =	sbr.rel $0x88, $3  }
0x1: {  	(tag) =	ssettag $0x0;
	lr =	simm.s32 $0x1  }
0x2: {  	[smem:$0x3F8E] =	sst lr;
	_ =	strace $0xD0000000  }
0x3: {  	_ = 	snop  }
0x4: {  	_ = 	snop  }
0x5: {  	_ = 	snop  }
0x6: {  	_ = 	snop  }
0x7: {  	_ = 	snop  }
__scs_overlays_trampoline_lowered:
0x8: {  	[smem:$0x3F9D] =	sst s0  }
0x9: {  	[smem:$0x3F9E] =	sst s1  }
0xa: {  	[smem:$0x3F9F] =	sst s2  }
0xb: {  	[smem:$0x3FA0] =	sst s3  }
0xc: {  	[smem:$0x3FA1] =	sst s4  }
0xd: {  	[smem:$0x3FA2] =	sst s5  }
0xe: {  	[smem:$0x3FA3] =	sst s6  }
0xf: {  	[smem:$0x3FA4] =	sst s7  }
0x10: {  	[smem:$0x3FA5] =	sst s8  }
0x11: {  	[smem:$0x3FA6] =	sst s9;
	s0 =	simm.s32 @!p0 $0x0  }
0x12: {  	s1 =	sld [smem:$0x3F8C];
	s0 =	simm.s32 @p0 $0x1  }
0x13: {  	[smem:$0x3FA7] =	sst s0;
	s0 =	simm.s32 @!p1 $0x0  }
0x14: {  	s2 =	sld [smem:$0x3F8B];
	s0 =	simm.s32 @p1 $0x1  }
0x15: {  	[smem:$0x3FA8] =	sst s0;
	s0 =	simm.s32 @!p2 $0x0  }
0x16: {  	s3 =	sld [smem:$0x3FDB];
	s0 =	simm.s32 @p2 $0x1  }
0x17: {  	s4 =	simm.s32 $0x1BF5;
	[smem:$0x3FAA] =	sst s0  }
0x18: {  	s0 =	sld [smem:$0x3F8D];
	_ =	swait.ge [sflag:s4], $0x0  }
0x19: {  	s7 =	sld [smem:$0x3F8E]  }
0x1a: {  	s8 =	sadd.s32 $0xFFFFE003, lr  }
0x1b: {  	s9 =	sadd.s32 $0xFFFFFEF7, lr;
	s5 =	simm.s32 $0xFFFFFFFF;
	p2 =	slt.u32 s8, $0xFFFFF086  }
0x1c: {  	p1 =	slt.u32 s9, $0xF7A;
	s5 =	simm.s32 @!p2 $0x0  }
0x1d: {  	s5 =	simm.s32 @p1 $0x1;
	p0 =	seq.s32 s7, s2  }
0x1e: {  	s7 =	smul.u32 @!p0 $0xF7A, s2;
	p2 =	seq.s32 @!p0 s5, $0x0  }
0x1f: {  	s9 =	smul.u32 $0xF7A, s1;
	s8 =	simm.s32 @!p0 $0x1BF5;
	p2 =	por !p2, p0  }
0x20: {  	[sflag:s8] =	ssyncset.s32 @!p0 $0xFFFFF086;
	s6 =	sadd.s32 @!p0 s3, s7;
	s7 =	simm.s32 @!p0 $0x108  }
0x21: {  	s3 =	sadd.s32 s3, s9;
	s6 =	sadd.s32 @!p0 $0x88, s6;
	s7 =	simm.s32 @p2 $0x1082  }
0x22: {  	[simem:s7], [sflag:s8] =	dma.local @!p0 [hbm:s6], $0xF7A  }
0x23: {  	s9 =	sor.u32 $0xD0000000, s2;
	s6 =	simm.s32 $0x108;
	_ =	swait.ge @!p0 [sflag:s8], $0x0  }
0x24: {  	s3 =	sadd.s32 $0x88, s3;
	s6 =	simm.s32 @!p1 $0x1082;
	[sflag:s4] =	ssyncset.s32 $0xFFFFF086  }
0x25: {  	[simem:s6], [sflag:s4] =	dma.local [hbm:s3], $0xF7A  }
0x26: {  	[smem:$0x3F8E] =	sst s1;
	(tag) =	ssettag s2;
	_ =	strace s9  }
0x27: {  	s1 =	sld [smem:$0x3F9E]  }
0x28: {  	s2 =	sld [smem:$0x3F9F]  }
0x29: {  	s4 =	sld [smem:$0x3FA1]  }
0x2a: {  	p0 =	seq.s32 s5, $0x0;
	s5 =	sld [smem:$0x3FA2]  }
0x2b: {  	s6 =	sld [smem:$0x3FA3]  }
0x2c: {  	s7 =	sld [smem:$0x3FA4]  }
0x2d: {  	s3 =	simm.s32 $0x108;
	s8 =	sld [smem:$0x3FA5]  }
0x2e: {  	s3 =	simm.s32 @!p0 $0x1082;
	s9 =	sld [smem:$0x3FA6]  }
0x2f: {  	lr =	sadd.s32 s0, s3;
	s0 =	sld [smem:$0x3F9D]  }
0x30: {  	s3 =	sld [smem:$0x3FA0]  }
0x31: {  	[smem:$0x3FA9] =	sst s10  }
0x32: {  	s10 =	sld [smem:$0x3FA7];
	_ =	sdelay $0x3  }
0x33: {  	p0 =	seq.s32 s10, $0x1;
	s10 =	sld [smem:$0x3FA9];
	_ =	sdelay $0x3  }
0x34: {  	[smem:$0x3FA9] =	sst s10  }
0x35: {  	s10 =	sld [smem:$0x3FA8];
	_ =	sdelay $0x3  }
0x36: {  	p1 =	seq.s32 s10, $0x1;
	s10 =	sld [smem:$0x3FA9];
	_ =	sdelay $0x3  }
0x37: {  	[smem:$0x3FA9] =	sst s10  }
0x38: {  	s10 =	sld [smem:$0x3FAA]  }
0x39: {  	_ = 	snop;
	(pc) =	sbr.ind lr, $3  }
0x3a: {  	_ = 	snop  }
0x3b: {  	_ = 	snop  }
0x3c: {  	p2 =	seq.s32 s10, $0x1;
	s10 =	sld [smem:$0x3FA9]  }
0x3d: {  	_ =	shalt  }
0x3e: {  	_ =	shalt  }
0x3f: {  	_ =	shalt  }
0x40: {  	_ =	shalt  }
0x41: {  	_ =	shalt  }
0x42: {  	_ =	shalt  }
0x43: {  	_ =	shalt  }
0x44: {  	_ =	shalt  }
0x45: {  	_ =	shalt  }
0x46: {  	_ =	shalt  }
0x47: {  	_ =	shalt  }
0x48: {  	_ =	shalt  }
0x49: {  	_ =	shalt  }
0x4a: {  	_ =	shalt  }
0x4b: {  	_ =	shalt  }
0x4c: {  	_ =	shalt  }
0x4d: {  	_ =	shalt  }
0x4e: {  	_ =	shalt  }
0x4f: {  	_ =	shalt  }
0x50: {  	_ =	shalt  }
0x51: {  	_ =	shalt  }
0x52: {  	_ =	shalt  }
0x53: {  	_ =	shalt  }
0x54: {  	_ =	shalt  }
0x55: {  	_ =	shalt  }
0x56: {  	_ =	shalt  }
0x57: {  	_ =	shalt  }
0x58: {  	_ =	shalt  }
0x59: {  	_ =	shalt  }
0x5a: {  	_ =	shalt  }
0x5b: {  	_ =	shalt  }
0x5c: {  	_ =	shalt  }
0x5d: {  	_ =	shalt  }
0x5e: {  	_ =	shalt  }
0x5f: {  	_ =	shalt  }
0x60: {  	_ =	shalt  }
0x61: {  	_ =	shalt  }
0x62: {  	_ =	shalt  }
0x63: {  	_ =	shalt  }
0x64: {  	_ =	shalt  }
0x65: {  	_ =	shalt  }
0x66: {  	_ =	shalt  }
0x67: {  	_ =	shalt  }
0x68: {  	_ =	shalt  }
0x69: {  	_ =	shalt  }
0x6a: {  	_ =	shalt  }
0x6b: {  	_ =	shalt  }
0x6c: {  	_ =	shalt  }
0x6d: {  	_ =	shalt  }
0x6e: {  	_ =	shalt  }
0x6f: {  	_ =	shalt  }
0x70: {  	_ =	shalt  }
0x71: {  	_ =	shalt  }
0x72: {  	_ =	shalt  }
0x73: {  	_ =	shalt  }
0x74: {  	_ =	shalt  }
0x75: {  	_ =	shalt  }
0x76: {  	_ =	shalt  }
0x77: {  	_ =	shalt  }
0x78: {  	_ =	shalt  }
0x79: {  	_ =	shalt  }
0x7a: {  	_ =	shalt  }
0x7b: {  	_ =	shalt  }
0x7c: {  	_ =	shalt  }
0x7d: {  	_ =	shalt  }
0x7e: {  	_ =	shalt  }
0x7f: {  	_ =	shalt  }
0x80: {  	_ =	shalt  }
0x81: {  	_ =	shalt  }
0x82: {  	_ =	shalt  }
0x83: {  	_ =	shalt  }
0x84: {  	_ =	shalt  }
0x85: {  	_ =	shalt  }
0x86: {  	_ =	shalt  }
0x87: {  	_ =	shalt  }
.Lfunc_end0:
.L_simem_size_0:
called_computation_lowered:
.L_overlay_start_0:
0x88: {  	s2 =	sld [smem:$0x3FD9]  }
0x89: {  	s3 =	sld [smem:$0x3FFE];
	_ =	sdelay $0x1  }
0x8a: {  	s1 =	srdreg.scid  }
0x8b: {  	s0 =	sand.u32 $0x1, s1  }
0x8c: {  	s17 =	sshll.u32 s0, $0xA;
	s2 =	sadd.s32 s3, s2  }
0x8d: {  	s2 =	sadd.s32 s2, s17  }
0x8e: {  	[smem:$0x3FB5] =	sst s2  }
0x8f: {  	_ = 	snop  }
0x90: {  	s2 =	sld [smem:$0x3FC9]  }
0x91: {  	s18 =	sld [smem:$0x3FD0];
	(tm) =	ssettm $0x1  }
0x92: {  	s4 =	sld [smem:$0x3FFB];
	_ =	sdelay $0x3  }
0x93: {  	_ =	strace s4  }
0x94: {  	s4 =	sld [smem:$0x3FFC];
	_ =	sdelay $0x3  }
0x95: {  	_ =	strace s4  }
0x96: {  	s4 =	sld [smem:$0x3FFD];
	_ =	sdelay $0x3  }
0x97: {  	_ =	strace s4  }
0x98: {  	_ =	strace $0x8FFFFFFF  }
0x99: {  	s19 =	sld [smem:$0x3FDB];
	_ =	sdelay $0x1  }
0x9a: {  	s5 =	simm.s32 $_scs_section_size  }
0x9b: {  	s6 =	simm.s32 $_size__tile_overlayer_lowered;
	s7 =	simm.s32 $_tile_overlayer_lowered  }
0x9c: {  	s22 =	simm.s32 $0x1BFF;
	s21 =	sshll.u32 s7, $0x1;
	s4 =	sadd.s32 s5, s19  }
0x9d: {  	s8 =	simm.s32 $0x0;
	s20 =	sshll.u32 s6, $0x1;
	s6 =	sadd.s32 s21, s4  }
0x9e: {  	[timem:s8], [sflag:s22] =	dma.local [hbm:s6], s20  }
0x9f: {  	_ =	swait.ge [sflag:s22], s20  }
0xa0: {  	s5 =	ssub.s32 $0x0, s20;
	[sflag:s22] =	ssyncset.done $0x0  }
0xa1: {  	[sflag:s22] =	ssyncadd.s32 s5;
	_ =	sdelay $0x1  }
0xa2: {  	s23 =	simm.s32 $0x1B8B  }
0xa3: {  	_ =	swait.ge [sflag:s23], $0x1  }
0xa4: {  	[sflag:s23] =	ssyncset.done $0x0  }
0xa5: {  	s25 =	simm.s32 $0x1B8E;
	s24 =	sld [smem:$0x3FFE];
	[sflag:s23] =	ssyncadd.s32 $0xFFFFFFFF  }
0xa6: {  	s26 =	simm.s32 $execute0_lowered;
	[smem:$0x3FD2] =	sst s25  }
0xa7: {  	s6 =	sshll.u32 s26, $0x1;
	_ =	strace $0x80000046;
	[dreg:$0x1] =	wrdreg $0xFFFFFFFF  }
0xa8: {  	s28 =	simm.s32 $_size_execute0_lowered;
	s4 =	sadd.s32 s4, s6;
	[dreg:$0x0] =	wrdreg $0x0  }
0xa9: {  	s6 =	sshll.u32 s28, $0x1;
	[dreg:$0x2] =	wrdreg s4  }
0xaa: {  	[dreg:$0x3] =	wrdreg s6  }
0xab: {  	[dreg:$0x4] =	wrdreg $0xC0  }
0xac: {  	_ =	task [dreg:s8], $0x5FFFF  }
0xad: {  	[dreg:$0x1] =	wrdreg $0xFFFFFFFF  }
0xae: {  	[dreg:$0x0] =	wrdreg $0x60  }
0xaf: {  	[dreg:$0x2] =	wrdreg s2  }
0xb0: {  	[dreg:$0x3] =	wrdreg s24  }
0xb1: {  	[dreg:$0x4] =	wrdreg s18  }
0xb2: {  	[dreg:$0x5] =	wrdreg $0x9  }
0xb3: {  	_ =	task.clear_ibuf [dreg:s8], $0x6FFFF;
	_ =	strace $0x90000046  }
0xb4: {  	s29 =	simm.s32 $0x9;
	_ =	strace $0x80000048  }
0xb5: {  	_ =	swait.ge [sflag:s29], $0x1  }
0xb6: {  	[sflag:s29] =	ssyncadd.s32 $0xFFFFFFFF  }
0xb7: {  	_ =	strace $0x90000048  }
0xb8: {  	_ =	sfence  }
0xb9: {  	s30 =	sld [smem:$0x0];
	_ =	sdelay $0x2  }
0xba: {  	s31 =	sshll.u32 s1, $0xD;
	s1 =	sshrl.u32 s1, $0x2  }
0xbb: {  	s3 =	sand.u32 $0x4000, s31;
	s1 =	sadd.s32 s1, s30  }
0xbc: {  	s0 =	sor.u32 s3, s0;
	s1 =	sshll.u32 s1, $0x11  }
0xbd: {  	s0 =	sor.u32 s1, s0  }
0xbe: {  	s0 =	sadd.s32 $0x8F2B, s0  }
0xbf: {  	[sflag:s0] =	ssyncadd.remote.s32 $0x1  }
0xc0: {  	_ =	sfence.sel $0xFFFF  }
0xc1: {  	[dreg:$0x0] =	wrdreg $0xFFFFFFFF;
	(pc) =	sbr.abs _section_cstart, $3  }
0xc2: {  	[dreg:$0x1] =	wrdreg $0xFFFFFFFF  }
0xc3: {  	_ =	task.clear_ibuf [dreg:s8], $0x2FFFF;
	_ =	strace $0x9FFFFFFF  }
0xc4: {  	(tm) =	ssettm $0x7FFFFFFF  }
0xc5: {  	_ =	shalt  }
tec
execute0_lowered:
.L_overlay_start_1:
0x0: {  	(tag) =	ssettag $0x1  }
0x1: {  	s1 =	stileid.u32  }
0x2: {  	p0 =	sgt.u32 s1, $0x7  }
.Ltmp0:
0x3: {  	s2 =	rddreg [dreg:$0x0];
	(pc) =	sbr.rel @p0 .LBB2_4-.Ltmp0, $4  }
0x4: {  	s4 =	rddreg [dreg:$0x1]  }
0x5: {  	s10 =	rddreg [dreg:$0x2];
	s3 =	simm.s32 $0x0  }
0x6: {  	[smem:$0x7FF] =	sst s3  }
0x7: {  	s0 =	rddreg [dreg:$0x3];
	_ =	strace $0x80000047  }
0x8: {  	s5 =	srdreg.scid  }
0x9: {  	s30 =	sshll.u32 s1, $0x1;
	s8 =	sand.u32 $0x1, s5  }
0xa: {  	s4 =	sadd.s32 $0x1A00, s4;
	s11 =	sor.u32 s8, s30  }
0xb: {  	s5 =	sadd.s32 s4, s11;
	s4 =	simm.s32 $0x2  }
0xc: {  	[tilespmem:s3], [sflag:$0x2] =	stream.linear.gather [hbm4b:s5+s3], $0x8, $0x38;
	[tilespmem:$0xC80] =	vst v63  }
0xd: {  	_ =	swait.ge [sflag:s4], $0x8  }
0xe: {  	[sflag:s4] =	ssyncset.done $0x0  }
0xf: {  	[sflag:s4] =	ssyncadd.s32 $0xFFFFFFF8  }
0x10: {  	v0 =	vld.msk [tilespmem:$0x0], $0xff;
	_ =	sdelay $0x4  }
0x11: {  	v1 =	vshrl.u32 v0, $0x3  }
0x12: {  	v1 =	vmul.u32 $0x18, v1  }
0x13: {  	v2 =	vlaneseq.u32;
	v3 =	vand.u32 $0x7, v0  }
0x14: {  	v0 =	vand.u32 $0x7, v2;
	v2 =	vshrl.u32 v2, $0x3;
	v3 =	vor.u32 v3, v1  }
0x15: {  	v1 =	vmul.u32 $0x8, v2;
	v2 =	vperm.xlane v3, v0;
	_ =	sdelay $0x1  }
0x16: {  	v2 =	vadd.s32 v1, v2;
	_ =	sdelay $0x1  }
0x17: {  	s12 =	ssub.s32 $0x2, s8  }
0x18: {  	s13 =	sshrl.u32 s12, $0x1  }
0x19: {  	s6 =	sadd.s32 $0x100, s2;
	vm0 =	vmmov $0xffff;
	s7 =	simm.s32 $0x80;
	s12 =	ssub.s32 s12, s13  }
0x1a: {  	[tilespmem:s7], [sflag:$0x1] =	stream.indirect_vreg.gather [hbm4b:s2+s3], $0x80, v2, vm0, $0xb8;
	[tilespmem:$0xC80] =	vst v63  }
0x1b: {  	vm1 =	vmmov $0xff;
	s9 =	simm.s32 $0x1;
	s8 =	simm.s32 $0x880;
	s31 =	smax.u32 s12, $0x1  }
0x1c: {  	[tilespmem:s8], [sflag:$0x1] =	stream.indirect_vreg.gather [hbm4b:s6+s3], $0x80, v2, vm1, $0xb8;
	[tilespmem:$0xC80] =	vst v63  }
0x1d: {  	s11 =	smul.u32 $0x180, s11;
	p0 =	sne.s32 s31, $0x1;
	_ =	swait.ge [sflag:s9], $0xC00  }
.Ltmp1:
0x1e: {  	[sflag:s9] =	ssyncset.done $0x0;
	(pc) =	sbr.rel @!p0 .LBB2_3-.Ltmp1, $4  }
0x1f: {  	s10 =	sadd.s32 s10, s11;
	[sflag:s9] =	ssyncadd.s32 $0xFFFFF400  }
0x20: {  	[hbm4b:s10+s3] =	stream.linear.scatter [tilespmem:s7], [sflag:$0x2], $0xC00, $0x38;
	[tilespmem:$0xC80] =	vst v63  }
0x21: {  	_ =	swait.ge [sflag:s4], $0xC00  }
0x22: {  	s11 =	sadd.s32 $0xFFFFFFFF, s31;
	[sflag:s4] =	ssyncset.done $0x0  }
.LBB2_2:
0x23: {  	p0 =	sne.s32 s11, $0x1;
	s11 =	sadd.s32 $0xFFFFFFFF, s11;
	[sflag:s4] =	ssyncadd.s32 $0xFFFFF400  }
0x24: {  	[tilespmem:s3], [sflag:$0x2] =	stream.linear.gather [hbm4b:s5+s3], $0x8, $0x38;
	[tilespmem:$0xC80] =	vst v63  }
0x25: {  	_ =	swait.ge [sflag:s4], $0x8  }
0x26: {  	[sflag:s4] =	ssyncset.done $0x0  }
0x27: {  	[sflag:s4] =	ssyncadd.s32 $0xFFFFFFF8  }
0x28: {  	v2 =	vld.msk [tilespmem:$0x0], $0xff;
	_ =	sdelay $0x4  }
0x29: {  	v3 =	vshrl.u32 v2, $0x3  }
0x2a: {  	v3 =	vmul.u32 $0x18, v3  }
0x2b: {  	v2 =	vand.u32 $0x7, v2  }
0x2c: {  	v2 =	vor.u32 v2, v3  }
0x2d: {  	v2 =	vperm.xlane v2, v0;
	_ =	sdelay $0x1  }
0x2e: {  	v2 =	vadd.s32 v1, v2;
	_ =	sdelay $0x4  }
0x2f: {  	[tilespmem:s7], [sflag:$0x1] =	stream.indirect_vreg.gather [hbm4b:s2+s3], $0x80, v2, vm0, $0xb8;
	[tilespmem:$0xC80] =	vst v63  }
0x30: {  	_ = 	snop  }
0x31: {  	[tilespmem:s8], [sflag:$0x1] =	stream.indirect_vreg.gather [hbm4b:s6+s3], $0x80, v2, vm1, $0xb8;
	[tilespmem:$0xC80] =	vst v63  }
0x32: {  	_ =	swait.ge [sflag:s9], $0xC00  }
.Ltmp2:
0x33: {  	[sflag:s9] =	ssyncset.done $0x0;
	(pc) =	sbr.rel @p0 .LBB2_2-.Ltmp2, $4  }
0x34: {  	[sflag:s9] =	ssyncadd.s32 $0xFFFFF400  }
0x35: {  	[hbm4b:s10+s3] =	stream.linear.scatter [tilespmem:s7], [sflag:$0x2], $0xC00, $0x38;
	[tilespmem:$0xC80] =	vst v63  }
0x36: {  	_ =	swait.ge [sflag:s4], $0xC00  }
0x37: {  	[sflag:s4] =	ssyncset.done $0x0  }
.LBB2_3:
0x38: {  	[sflag:s4] =	ssyncadd.s32 $0xFFFFF400  }
.LBB2_4:
0x39: {  	_ =	sfence.sel $0x180000  }
0x3a: {  	[bflag:$0x0] =	sbarrier.arrive $0xFFFF  }
0x3b: {  	p0 =	sne.s32 s1, $0x0;
	_ =	strace $0x90000047  }
0x3c: {  	s0 =	sadd.s32 @!p0 $0x100000, s0;
	[bflag:$0x2] =	sbarrier.arrive $0xFFFF  }
0x3d: {  	[sflag:s0] =	ssyncadd.tile.s32 @!p0 $0x1;
	_ =	shalt  }
.Lfunc_end2:
_tile_overlayer_lowered:
.L_overlay_start_2:
0x3e: {  	(tag) =	ssettag $0x2  }
0x3f: {  	s0 =	rddreg [dreg:$0x0];
	s2 =	stileid.u32  }
0x40: {  	s1 =	rddreg [dreg:$0x1];
	p0 =	sne.s32 s2, $0x0  }
0x41: {  	s3 =	rddreg [dreg:$0x2];
	[bflag:$0x3] =	sbarrier.arrive $0xFFFF;
	s2 =	simm.s32 @!p0 $0x1C02  }
0x42: {  	[timem:s3], [sflag:s2] =	dma.local @!p0 [hbm:s0], s1  }
0x43: {  	s0 =	simm.s32 @!p0 $0x2  }
0x44: {  	_ =	swait.ge @!p0 [sflag:s0], s1  }
0x45: {  	s1 =	ssub.s32 @!p0 $0x0, s1;
	[sflag:s0] =	ssyncset.done @!p0 $0x0  }
0x46: {  	[sflag:s0] =	ssyncadd.s32 @!p0 s1  }
0x47: {  	[bflag:$0x3] =	sbarrier.arrive $0xFFFF  }
0x48: {  	_ =	shalt  }

</sc_bundles>
